<compile_context>
chip_gen: v7x
topology: tpu7x:2x2x1
jax: 0.10.2.dev20260603
libtpu: 0.0.44.dev20260713+nightly
codegen_flags: <defaults>
</compile_context>

<pallas_src>
import jax
import jax.numpy as jnp
from jax import lax
from jax.experimental import pallas as pl
from jax.experimental.pallas import tpu as pltpu
from jax.experimental.pallas import tpu_sc as plsc

N = 10000
E = 320000
DIN = 128
DE = 16
H = 64

NC = 2
NS = 16
LANES = 16
NW = NC * NS
EPW = 10240
EP = NW * EPW
CG = 128
NCH = EPW // CG
WR = 80
ZR = 125
RPT = N // NS

BE = 2560
GE = EP // BE
BN = 1000
GN = N // BN

_f32 = jnp.float32
_HIGH = lax.Precision.HIGHEST


def _dot_t(a, b):
    return lax.dot_general(a, b, (((1,), (1,)), ((), ())),
                           preferred_element_type=_f32)


def _bdot(a, b):
    af = a.astype(jnp.bfloat16).astype(_f32)
    bf = b.astype(jnp.bfloat16).astype(_f32)
    return jnp.sum(af * bf, axis=1, keepdims=True)


def _leaky(t):
    return jnp.where(t >= 0, t, 0.01 * t)


def _elu(t):
    return jnp.where(t > 0, t, jnp.exp(jnp.minimum(t, 0.0)) - 1.0)



def _node_pre_body(na_ref, w1_ref, b1_ref, wx_ref, gar_ref, x_ref, u_ref, ai_ref):
    xv = _leaky(_dot_t(na_ref[...], w1_ref[...]) + b1_ref[...][None, :])
    x_ref[...] = xv
    u_ref[...] = _dot_t(xv, wx_ref[...])
    ai_ref[...] = _bdot(xv, gar_ref[...])


def _edge_body(ue_ref, ea_ref, we_ref, attl_ref, g2_ref, aie_ref, out_ref):
    i = pl.program_id(0)
    hj = _leaky(ue_ref[...] + _dot_t(ea_ref[...], we_ref[...]))
    aj = _bdot(hj, attl_ref[...])
    a = _leaky(aj + aie_ref[...])
    eid = lax.broadcasted_iota(jnp.int32, (BE, 1), 0) + i * BE
    exc = jnp.where(eid < E, jnp.exp(jnp.clip(a, -60.0, 60.0)), 0.0)
    exb = _dot_t(exc, jnp.ones((H, 1), _f32))
    msg = _dot_t(hj, g2_ref[...])
    out_ref[...] = jnp.concatenate(
        [msg * exb, exc, jnp.zeros((BE, WR - H - 1), _f32)], axis=1)


def _node_post_body(p_ref, x_ref, gb_ref, wih_ref, whh_ref, bih_ref, bhh_ref,
                    molw_ref, mas_ref, xs_ref, s_ref, ssum_ref):
    i = pl.program_id(0)
    ps = p_ref[0] + p_ref[1]
    agg = ps[:, :H]
    den = ps[:, H:H + 1]
    denb = _dot_t(den, jnp.ones((H, 1), _f32))
    conv = agg / (denb + 1e-16) + gb_ref[...][None, :]
    h = _elu(conv)
    xv = x_ref[...]
    gi = _dot_t(h, wih_ref[...]) + bih_ref[...][None, :]
    gh = _dot_t(xv, whh_ref[...]) + bhh_ref[...][None, :]
    r = jax.nn.sigmoid(gi[:, :H] + gh[:, :H])
    z = jax.nn.sigmoid(gi[:, H:2 * H] + gh[:, H:2 * H])
    n = jnp.tanh(gi[:, 2 * H:] + r * gh[:, 2 * H:])
    xn = jnp.maximum((1.0 - z) * n + z * xv, 0.0)
    xs = _dot_t(xn, molw_ref[...])
    xs_ref[...] = xs
    s_ref[...] = jnp.sum(xs * mas_ref[...][None, :], axis=1, keepdims=True)

    @pl.when(i == 0)
    def _():
        ssum_ref[...] = jnp.zeros_like(ssum_ref)

    ssum_ref[...] += jnp.sum(xn, axis=0, keepdims=True)


def _readout_body(xs_ref, s_ref, ssum_ref, molw_ref, mad_ref, mb_ref,
                  mwih_ref, mwhh_ref, mbih_ref, mbhh_ref, w2_ref, b2_ref,
                  out_ref, num_ref, den_ref):
    i = pl.program_id(0)

    @pl.when(i == 0)
    def _():
        num_ref[...] = jnp.zeros_like(num_ref)
        den_ref[...] = jnp.zeros_like(den_ref)

    g = jnp.maximum(ssum_ref[...], 0.0)
    gd = _dot_t(g, molw_ref[...])
    d = jnp.sum(gd * mad_ref[...][None, :])
    a = _leaky(s_ref[...] + d)
    e = jnp.exp(jnp.clip(a, -60.0, 60.0))
    num_ref[...] += lax.dot_general(e, xs_ref[...], (((0,), (0,)), ((), ())),
                                    precision=_HIGH, preferred_element_type=_f32)
    den_ref[...] += jnp.full((1, H), jnp.sum(e), _f32)

    @pl.when(i == GN - 1)
    def _():
        hm = _elu(num_ref[...] / den_ref[...] + mb_ref[...][None, :])
        gi = _dot_t(hm, mwih_ref[...]) + mbih_ref[...][None, :]
        gh = _dot_t(g, mwhh_ref[...]) + mbhh_ref[...][None, :]
        r = jax.nn.sigmoid(gi[:, :H] + gh[:, :H])
        z = jax.nn.sigmoid(gi[:, H:2 * H] + gh[:, H:2 * H])
        n = jnp.tanh(gi[:, 2 * H:] + r * gh[:, 2 * H:])
        g2 = jnp.maximum((1.0 - z) * n + z * g, 0.0)
        out_ref[...] = _dot_t(g2, w2_ref[...]) + b2_ref[...][None, :]



def _gather_body(u_hbm, ai_hbm, src_hbm, dst_hbm, ue_hbm, aie_hbm,
                 src_b, dst_b, r0, r1, r2, r3, aie_b,
                 sg0, sg1, sg2, sg3, sw0, sw1, sw2, sw3):
    c = lax.axis_index("c")
    s = lax.axis_index("s")
    wid = s * NC + c
    base = wid * EPW
    rbufs = (r0, r1, r2, r3)
    sgs = (sg0, sg1, sg2, sg3)
    sws = (sw0, sw1, sw2, sw3)
    pltpu.sync_copy(src_hbm.at[pl.ds(base, EPW)], src_b)
    pltpu.sync_copy(dst_hbm.at[pl.ds(base, EPW)], dst_b)

    def fire_g(off, k):
        pltpu.async_copy(u_hbm.at[src_b.at[pl.ds(off, CG)]], rbufs[k], sgs[k])
        pltpu.async_copy(ai_hbm.at[dst_b.at[pl.ds(off, CG)]],
                         aie_b.at[pl.ds(off, CG)], sgs[k])

    def drain_g(off, k):
        pltpu.make_async_copy(u_hbm.at[src_b.at[pl.ds(off, CG)]],
                              rbufs[k], sgs[k]).wait()
        pltpu.make_async_copy(ai_hbm.at[dst_b.at[pl.ds(off, CG)]],
                              aie_b.at[pl.ds(off, CG)], sgs[k]).wait()

    def fire_w(off, k):
        pltpu.async_copy(rbufs[k], ue_hbm.at[pl.ds(base + off, CG), :], sws[k])

    def wait_w(off, k):
        pltpu.make_async_copy(rbufs[k], ue_hbm.at[pl.ds(base + off, CG), :],
                              sws[k]).wait()

    fire_g(0, 0)
    fire_g(CG, 1)

    def quad(qq, carry):
        for k in range(4):
            cidx = 4 * qq + k
            off = cidx * CG
            drain_g(off, k)
            fire_w(off, k)
            kk = (k + 2) % 4

            @pl.when(cidx + 2 < NCH)
            def _(cidx=cidx, kk=kk, off=off):
                @pl.when(cidx >= 2)
                def _():
                    wait_w(off - 2 * CG, kk)

                fire_g(off + 2 * CG, kk)
        return carry

    lax.fori_loop(0, NCH // 4, quad, 0)
    for k in range(4):
        wait_w((NCH - 4 + k) * CG, k)
    pltpu.sync_copy(aie_b, aie_hbm.at[pl.ds(base, EPW)])


def _scatter_body(rows_hbm, dst_hbm, out_hbm, i0, i1, i2, i3, r0, r1, r2, r3,
                  zb, table, sl0, sl1, sl2, sl3, ss0, ss1, ss2, ss3):
    c = lax.axis_index("c")
    s = lax.axis_index("s")
    wid = s * NC + c
    base = wid * EPW
    ibufs = (i0, i1, i2, i3)
    rbufs = (r0, r1, r2, r3)
    sls = (sl0, sl1, sl2, sl3)
    sss = (ss0, ss1, ss2, ss3)

    def zrow(r, carry):
        for j in range(WR // LANES):
            zb[r, pl.ds(j * LANES, LANES)] = jnp.zeros((LANES,), _f32)
        return carry

    lax.fori_loop(0, ZR, zrow, 0)
    for k in range(RPT // ZR):
        pltpu.sync_copy(zb, table.at[pl.ds(s * RPT + k * ZR, ZR), :])
    plsc.subcore_barrier()

    def fire_load(off, k):
        pltpu.async_copy(rows_hbm.at[pl.ds(off, CG), :], rbufs[k], sls[k])
        pltpu.async_copy(dst_hbm.at[pl.ds(off, CG)], ibufs[k], sls[k])

    def drain_load(off, k):
        pltpu.make_async_copy(rows_hbm.at[pl.ds(off, CG), :], rbufs[k], sls[k]).wait()
        pltpu.make_async_copy(dst_hbm.at[pl.ds(off, CG)], ibufs[k], sls[k]).wait()

    def wait_scat(k):
        pltpu.make_async_copy(rbufs[k], table.at[ibufs[k]], sss[k]).wait()

    fire_load(base, 0)
    fire_load(base + CG, 1)

    def quad(qq, carry):
        for k in range(4):
            cidx = 4 * qq + k
            off = base + cidx * CG
            drain_load(off, k)
            pltpu.async_copy(rbufs[k], table.at[ibufs[k]], sss[k], add=True)
            kk = (k + 2) % 4

            @pl.when(cidx + 2 < NCH)
            def _(cidx=cidx, kk=kk, off=off):
                @pl.when(cidx >= 2)
                def _():
                    wait_scat(kk)

                fire_load(off + 2 * CG, kk)
        return carry

    lax.fori_loop(0, NCH // 4, quad, 0)
    for k in range(4):
        wait_scat(k)
    plsc.subcore_barrier()
    pltpu.sync_copy(table.at[pl.ds(s * RPT, RPT), :],
                    out_hbm.at[c, pl.ds(s * RPT, RPT), :])


def _sc_gather(u, ai, src_p, dst_p):
    mesh = plsc.VectorSubcoreMesh(core_axis_name="c", subcore_axis_name="s")
    fn = pl.kernel(
        _gather_body,
        mesh=mesh,
        out_type=[jax.ShapeDtypeStruct((EP, H), _f32),
                  jax.ShapeDtypeStruct((EP,), _f32)],
        scratch_types=(
            [pltpu.VMEM((EPW,), jnp.int32)] * 2
            + [pltpu.VMEM((CG, H), _f32)] * 4
            + [pltpu.VMEM((EPW,), _f32)]
            + [pltpu.SemaphoreType.DMA] * 8
        ),
        compiler_params=pltpu.CompilerParams(use_tc_tiling_on_sc=False),
    )
    return fn(u, ai, src_p, dst_p)


def _sc_scatter(whjex, dst_p):
    mesh = plsc.VectorSubcoreMesh(core_axis_name="c", subcore_axis_name="s")
    fn = pl.kernel(
        _scatter_body,
        mesh=mesh,
        out_type=jax.ShapeDtypeStruct((NC, N, WR), _f32),
        scratch_types=(
            [pltpu.VMEM((CG,), jnp.int32)] * 4
            + [pltpu.VMEM((CG, WR), _f32)] * 4
            + [pltpu.VMEM((ZR, WR), _f32),
               pltpu.VMEM_SHARED((N, WR), _f32)]
            + [pltpu.SemaphoreType.DMA] * 8
        ),
        compiler_params=pltpu.CompilerParams(use_tc_tiling_on_sc=False),
    )
    return fn(whjex, dst_p)



def kernel(node_attr, edge_attr, edge_index, W1, b1, g_lin1_W, g_lin2_W, g_att_l,
           g_att_r, g_bias, gru_Wih, gru_Whh, gru_bih, gru_bhh, mol_W,
           mol_att_src, mol_att_dst, mol_bias, mgru_Wih, mgru_Whh, mgru_bih,
           mgru_bhh, W2, b2):
    src = edge_index[0]
    dst = edge_index[1]
    pad = EP - E
    src_p = jnp.concatenate([src, jnp.zeros((pad,), jnp.int32)])
    dst_p = jnp.concatenate([dst, jnp.zeros((pad,), jnp.int32)])
    Wx = g_lin1_W[:, :H]
    We = g_lin1_W[:, H:]

    x, u, ai = pl.pallas_call(
        _node_pre_body,
        grid=(GN,),
        in_specs=[
            pl.BlockSpec((BN, DIN), lambda i: (i, 0)),
            pl.BlockSpec((H, DIN), lambda i: (0, 0)),
            pl.BlockSpec((H,), lambda i: (0,)),
            pl.BlockSpec((H, H), lambda i: (0, 0)),
            pl.BlockSpec((1, H), lambda i: (0, 0)),
        ],
        out_specs=[
            pl.BlockSpec((BN, H), lambda i: (i, 0)),
            pl.BlockSpec((BN, H), lambda i: (i, 0)),
            pl.BlockSpec((BN, 1), lambda i: (i, 0)),
        ],
        out_shape=[
            jax.ShapeDtypeStruct((N, H), _f32),
            jax.ShapeDtypeStruct((N, H), _f32),
            jax.ShapeDtypeStruct((N, 1), _f32),
        ],
    )(node_attr, W1, b1, Wx, g_att_r)

    ue, aie = _sc_gather(u, ai.reshape(N), src_p, dst_p)

    whjex = pl.pallas_call(
        _edge_body,
        grid=(GE,),
        in_specs=[
            pl.BlockSpec((BE, H), lambda i: (i, 0)),
            pl.BlockSpec((BE, DE), lambda i: (jnp.minimum(i, E // BE - 1), 0)),
            pl.BlockSpec((H, DE), lambda i: (0, 0)),
            pl.BlockSpec((1, H), lambda i: (0, 0)),
            pl.BlockSpec((H, H), lambda i: (0, 0)),
            pl.BlockSpec((BE, 1), lambda i: (i, 0)),
        ],
        out_specs=pl.BlockSpec((BE, WR), lambda i: (i, 0)),
        out_shape=jax.ShapeDtypeStruct((EP, WR), _f32),
    )(ue, edge_attr, We, g_att_l, g_lin2_W, aie.reshape(EP, 1))

    partials = _sc_scatter(whjex, dst_p)

    xs, sarr, ssum = pl.pallas_call(
        _node_post_body,
        grid=(GN,),
        in_specs=[
            pl.BlockSpec((NC, BN, WR), lambda i: (0, i, 0)),
            pl.BlockSpec((BN, H), lambda i: (i, 0)),
            pl.BlockSpec((H,), lambda i: (0,)),
            pl.BlockSpec((3 * H, H), lambda i: (0, 0)),
            pl.BlockSpec((3 * H, H), lambda i: (0, 0)),
            pl.BlockSpec((3 * H,), lambda i: (0,)),
            pl.BlockSpec((3 * H,), lambda i: (0,)),
            pl.BlockSpec((H, H), lambda i: (0, 0)),
            pl.BlockSpec((H,), lambda i: (0,)),
        ],
        out_specs=[
            pl.BlockSpec((BN, H), lambda i: (i, 0)),
            pl.BlockSpec((BN, 1), lambda i: (i, 0)),
            pl.BlockSpec((1, H), lambda i: (0, 0)),
        ],
        out_shape=[
            jax.ShapeDtypeStruct((N, H), _f32),
            jax.ShapeDtypeStruct((N, 1), _f32),
            jax.ShapeDtypeStruct((1, H), _f32),
        ],
    )(partials, x, g_bias, gru_Wih, gru_Whh, gru_bih, gru_bhh,
      mol_W, mol_att_src)

    out = pl.pallas_call(
        _readout_body,
        grid=(GN,),
        in_specs=[
            pl.BlockSpec((BN, H), lambda i: (i, 0)),
            pl.BlockSpec((BN, 1), lambda i: (i, 0)),
            pl.BlockSpec((1, H), lambda i: (0, 0)),
            pl.BlockSpec((H, H), lambda i: (0, 0)),
            pl.BlockSpec((H,), lambda i: (0,)),
            pl.BlockSpec((H,), lambda i: (0,)),
            pl.BlockSpec((3 * H, H), lambda i: (0, 0)),
            pl.BlockSpec((3 * H, H), lambda i: (0, 0)),
            pl.BlockSpec((3 * H,), lambda i: (0,)),
            pl.BlockSpec((3 * H,), lambda i: (0,)),
            pl.BlockSpec((H, H), lambda i: (0, 0)),
            pl.BlockSpec((H,), lambda i: (0,)),
        ],
        out_specs=pl.BlockSpec((1, H), lambda i: (0, 0)),
        out_shape=jax.ShapeDtypeStruct((1, H), _f32),
        scratch_shapes=[pltpu.VMEM((1, H), _f32), pltpu.VMEM((1, H), _f32)],
    )(xs, sarr, ssum, mol_W, mol_att_dst, mol_bias, mgru_Wih, mgru_Whh,
      mgru_bih, mgru_bhh, W2, b2)
    return out

# --- scband reference (transcript-rebuilt; emitter-appended) ---
"""Pipeline reference for scband-attentive-fpmodel-11733850653136 (READ-ONLY COPY).

The authoritative reference and input builder live on the scoring server;
editing this copy changes nothing except your own understanding.
"""

import jax, jax.numpy as jnp
import numpy as np

N = 10000
E = 320000
D_IN = 128
D_EDGE = 16
H = 64


def _gru_cell(inp, hid, Wih, Whh, bih, bhh):
    gi = inp @ Wih.T + bih
    gh = hid @ Whh.T + bhh
    i_r, i_z, i_n = jnp.split(gi, 3, axis=-1)
    h_r, h_z, h_n = jnp.split(gh, 3, axis=-1)
    r = jax.nn.sigmoid(i_r + h_r)
    z = jax.nn.sigmoid(i_z + h_z)
    n = jnp.tanh(i_n + r * h_n)
    return (1.0 - z) * n + z * hid


def _segment_softmax(alpha, index, num_segments):
    amax = jax.ops.segment_max(alpha, index, num_segments)
    amax = jnp.where(jnp.isfinite(amax), amax, 0.0)
    ex = jnp.exp(alpha - amax[index])
    den = jax.ops.segment_sum(ex, index, num_segments)
    return ex / (den[index] + 1e-16)


def setup_inputs(seed: int = 0):
    key = jax.random.key(seed)
    ks = jax.random.split(key, 20)
    s = 0.05
    inp = {}
    inp["node_attr"] = jax.random.normal(ks[0], (N, D_IN), dtype=jnp.float32)
    inp["edge_attr"] = jax.random.normal(ks[1], (E, D_EDGE), dtype=jnp.float32)
    inp["edge_index"] = jax.random.randint(ks[2], (2, E), 0, N, dtype=jnp.int32)
    inp["W1"] = jax.random.normal(ks[3], (H, D_IN), dtype=jnp.float32) * s
    inp["b1"] = jnp.zeros((H,), dtype=jnp.float32)
    inp["g_lin1_W"] = jax.random.normal(ks[4], (H, H + D_EDGE), dtype=jnp.float32) * s
    inp["g_lin2_W"] = jax.random.normal(ks[5], (H, H), dtype=jnp.float32) * s
    inp["g_att_l"] = jax.random.normal(ks[6], (1, H), dtype=jnp.float32) * s
    inp["g_att_r"] = jax.random.normal(ks[7], (1, H), dtype=jnp.float32) * s
    inp["g_bias"] = jnp.zeros((H,), dtype=jnp.float32)
    inp["gru_Wih"] = jax.random.normal(ks[8], (3 * H, H), dtype=jnp.float32) * s
    inp["gru_Whh"] = jax.random.normal(ks[9], (3 * H, H), dtype=jnp.float32) * s
    inp["gru_bih"] = jnp.zeros((3 * H,), dtype=jnp.float32)
    inp["gru_bhh"] = jnp.zeros((3 * H,), dtype=jnp.float32)
    inp["mol_W"] = jax.random.normal(ks[10], (H, H), dtype=jnp.float32) * s
    inp["mol_att_src"] = jax.random.normal(ks[11], (H,), dtype=jnp.float32) * s
    inp["mol_att_dst"] = jax.random.normal(ks[12], (H,), dtype=jnp.float32) * s
    inp["mol_bias"] = jnp.zeros((H,), dtype=jnp.float32)
    inp["mgru_Wih"] = jax.random.normal(ks[13], (3 * H, H), dtype=jnp.float32) * s
    inp["mgru_Whh"] = jax.random.normal(ks[14], (3 * H, H), dtype=jnp.float32) * s
    inp["mgru_bih"] = jnp.zeros((3 * H,), dtype=jnp.float32)
    inp["mgru_bhh"] = jnp.zeros((3 * H,), dtype=jnp.float32)
    inp["W2"] = jax.random.normal(ks[15], (H, H), dtype=jnp.float32) * s
    inp["b2"] = jnp.zeros((H,), dtype=jnp.float32)
    return inp


def reference(node_attr, edge_attr, edge_index, W1, b1, g_lin1_W, g_lin2_W, g_att_l,
              g_att_r, g_bias, gru_Wih, gru_Whh, gru_bih, gru_bhh, mol_W,
              mol_att_src, mol_att_dst, mol_bias, mgru_Wih, mgru_Whh, mgru_bih,
              mgru_bhh, W2, b2):
    src = edge_index[0]
    dst = edge_index[1]
    # Atom embedding: x = leaky_relu(lin1(x))
    x = jax.nn.leaky_relu(node_attr @ W1.T + b1, negative_slope=0.01)
    # GATEConv (attention over incoming edges, aggr='add')
    x_j = jnp.take(x, src, axis=0)
    hj = jax.nn.leaky_relu(jnp.concatenate([x_j, edge_attr], axis=-1) @ g_lin1_W.T,
                           negative_slope=0.01)
    alpha_j = (hj @ g_att_l.T)[:, 0]
    alpha_i = (jnp.take(x, dst, axis=0) @ g_att_r.T)[:, 0]
    alpha = jax.nn.leaky_relu(alpha_j + alpha_i, negative_slope=0.01)
    alpha = _segment_softmax(alpha, dst, N)
    msg = (hj @ g_lin2_W.T) * alpha[:, None]
    conv_out = jax.ops.segment_sum(msg, dst, N) + g_bias
    h = jax.nn.elu(conv_out)
    x = jax.nn.relu(_gru_cell(h, x, gru_Wih, gru_Whh, gru_bih, gru_bhh))
    # Molecule embedding (single graph: batch = zeros)
    g = jax.nn.relu(jnp.sum(x, axis=0, keepdims=True))
    xs = x @ mol_W.T
    gd = g @ mol_W.T
    a = jax.nn.leaky_relu((xs * mol_att_src).sum(-1) + (gd * mol_att_dst).sum(-1)[0],
                          negative_slope=0.01)
    a = jax.nn.softmax(a)
    hm = jnp.sum(xs * a[:, None], axis=0, keepdims=True) + mol_bias
    hm = jax.nn.elu(hm)
    g = jax.nn.relu(_gru_cell(hm, g, mgru_Wih, mgru_Whh, mgru_bih, mgru_bhh))
    return g @ W2.T + b2

if __name__ == "__main__":
    import jax
    _d = setup_inputs()
    print(jax.jit(kernel)(*tuple(_d.values())))

</pallas_src>

<mosaic_0001>
#map = affine_map<(d0, d1) -> (0, 0)>
#map1 = affine_map<(d0, d1) -> (0)>
module attributes {stable_mosaic.version = 14 : i64} {
  func.func @_gather_body(%arg0: i32, %arg1: i32, %arg2: memref<10000x64xf32, #tpu.memory_space<hbm>>, %arg3: memref<10000xf32, #tpu.memory_space<hbm>>, %arg4: memref<327680xi32, #tpu.memory_space<hbm>>, %arg5: memref<327680xi32, #tpu.memory_space<hbm>>, %arg6: memref<327680x64xf32, #tpu.memory_space<hbm>>, %arg7: memref<327680xf32, #tpu.memory_space<hbm>>, %arg8: memref<10240xi32, #tpu.memory_space<vmem>>, %arg9: memref<10240xi32, #tpu.memory_space<vmem>>, %arg10: memref<128x64xf32, #tpu.memory_space<vmem>>, %arg11: memref<128x64xf32, #tpu.memory_space<vmem>>, %arg12: memref<128x64xf32, #tpu.memory_space<vmem>>, %arg13: memref<128x64xf32, #tpu.memory_space<vmem>>, %arg14: memref<10240xf32, #tpu.memory_space<vmem>>, %arg15: memref<!tpu.dma_semaphore, #tpu.memory_space<semaphore_mem>>, %arg16: memref<!tpu.dma_semaphore, #tpu.memory_space<semaphore_mem>>, %arg17: memref<!tpu.dma_semaphore, #tpu.memory_space<semaphore_mem>>, %arg18: memref<!tpu.dma_semaphore, #tpu.memory_space<semaphore_mem>>, %arg19: memref<!tpu.dma_semaphore, #tpu.memory_space<semaphore_mem>>, %arg20: memref<!tpu.dma_semaphore, #tpu.memory_space<semaphore_mem>>, %arg21: memref<!tpu.dma_semaphore, #tpu.memory_space<semaphore_mem>>, %arg22: memref<!tpu.dma_semaphore, #tpu.memory_space<semaphore_mem>>) attributes {dimension_semantics = [#tpu.dimension_semantics<core_parallel>, #tpu.dimension_semantics<subcore_parallel>], iteration_bounds = array<i64: 2, 16>, scalar_prefetch = 0 : i64, scratch_operands = 15 : i64, tpu.core_type = #tpu.core_type<sc_vector_subcore>, window_params = [{transform_indices = #map}, {transform_indices = #map1}, {transform_indices = #map1}, {transform_indices = #map1}, {transform_indices = #map}, {transform_indices = #map1}]} {
    %mul3A = arith.constant 2 : i32
    %mul3A_0 = arith.muli %arg1, %mul3A : i32
    %add3A = arith.addi %mul3A_0, %arg0 : i32
    %mul3A_1 = arith.constant 10240 : i32
    %mul3A_2 = arith.muli %add3A, %mul3A_1 : i32
    "tpu.region"() ({
      %run_scoped3A = tpu.sem_alloc : memref<!tpu.dma_semaphore, #tpu.memory_space<semaphore_mem>>
      %dma_start3A_52 = tpu.memref_slice %arg4[%mul3A_2] : memref<327680xi32, #tpu.memory_space<hbm>> -> memref<10240xi32, #tpu.memory_space<hbm>>
      %dma_start3A_53 = tpu.memref_slice %arg4[%mul3A_2] : memref<327680xi32, #tpu.memory_space<hbm>> -> memref<10240xi32, #tpu.memory_space<hbm>>
      tpu.enqueue_dma source(%dma_start3A_53 : memref<10240xi32, #tpu.memory_space<hbm>>) target(%arg8 : memref<10240xi32, #tpu.memory_space<vmem>>) target_semaphore(%run_scoped3A : memref<!tpu.dma_semaphore, #tpu.memory_space<semaphore_mem>>)
      %dma_wait3A_54 = tpu.memref_slice %arg4[%mul3A_2] : memref<327680xi32, #tpu.memory_space<hbm>> -> memref<10240xi32, #tpu.memory_space<hbm>>
      %dma_wait3A_55 = tpu.memref_slice %arg4[%mul3A_2] : memref<327680xi32, #tpu.memory_space<hbm>> -> memref<10240xi32, #tpu.memory_space<hbm>>
      tpu.wait_dma2 semaphore(%run_scoped3A : memref<!tpu.dma_semaphore, #tpu.memory_space<semaphore_mem>>) src(%dma_wait3A_55 : memref<10240xi32, #tpu.memory_space<hbm>>) dst(%arg8 : memref<10240xi32, #tpu.memory_space<vmem>>)
      tpu.yield
    }) : () -> ()
    "tpu.region"() ({
      %run_scoped3A = tpu.sem_alloc : memref<!tpu.dma_semaphore, #tpu.memory_space<semaphore_mem>>
      %dma_start3A_52 = tpu.memref_slice %arg5[%mul3A_2] : memref<327680xi32, #tpu.memory_space<hbm>> -> memref<10240xi32, #tpu.memory_space<hbm>>
      %dma_start3A_53 = tpu.memref_slice %arg5[%mul3A_2] : memref<327680xi32, #tpu.memory_space<hbm>> -> memref<10240xi32, #tpu.memory_space<hbm>>
      tpu.enqueue_dma source(%dma_start3A_53 : memref<10240xi32, #tpu.memory_space<hbm>>) target(%arg9 : memref<10240xi32, #tpu.memory_space<vmem>>) target_semaphore(%run_scoped3A : memref<!tpu.dma_semaphore, #tpu.memory_space<semaphore_mem>>)
      %dma_wait3A_54 = tpu.memref_slice %arg5[%mul3A_2] : memref<327680xi32, #tpu.memory_space<hbm>> -> memref<10240xi32, #tpu.memory_space<hbm>>
      %dma_wait3A_55 = tpu.memref_slice %arg5[%mul3A_2] : memref<327680xi32, #tpu.memory_space<hbm>> -> memref<10240xi32, #tpu.memory_space<hbm>>
      tpu.wait_dma2 semaphore(%run_scoped3A : memref<!tpu.dma_semaphore, #tpu.memory_space<semaphore_mem>>) src(%dma_wait3A_55 : memref<10240xi32, #tpu.memory_space<hbm>>) dst(%arg9 : memref<10240xi32, #tpu.memory_space<vmem>>)
      tpu.yield
    }) : () -> ()
    %dma_start3A = arith.constant 0 : i32
    %dma_start3A_3 = tpu.memref_slice %arg8[%dma_start3A] : memref<10240xi32, #tpu.memory_space<vmem>> -> memref<128xi32, #tpu.memory_space<vmem>>
    %dma_start3A_4 = arith.constant 0 : i32
    %dma_start3A_5 = arith.constant 0 : i32
    %dma_start3A_6 = tpu.memref_slice %arg2[%dma_start3A_4, %dma_start3A_5] : memref<10000x64xf32, #tpu.memory_space<hbm>> -> memref<10000x64xf32, #tpu.memory_space<hbm>>
    tpu.enqueue_indirect_dma source(%dma_start3A_6 : memref<10000x64xf32, #tpu.memory_space<hbm>>) target(%arg10 : memref<128x64xf32, #tpu.memory_space<vmem>>) offsets(%dma_start3A_3 : memref<128xi32, #tpu.memory_space<vmem>>) semaphore(%arg15 : memref<!tpu.dma_semaphore, #tpu.memory_space<semaphore_mem>>)
    %dma_start3A_7 = arith.constant 0 : i32
    %dma_start3A_8 = tpu.memref_slice %arg14[%dma_start3A_7] : memref<10240xf32, #tpu.memory_space<vmem>> -> memref<128xf32, #tpu.memory_space<vmem>>
    %dma_start3A_9 = arith.constant 0 : i32
    %dma_start3A_10 = tpu.memref_slice %arg9[%dma_start3A_9] : memref<10240xi32, #tpu.memory_space<vmem>> -> memref<128xi32, #tpu.memory_space<vmem>>
    %dma_start3A_11 = arith.constant 0 : i32
    %dma_start3A_12 = tpu.memref_slice %arg3[%dma_start3A_11] : memref<10000xf32, #tpu.memory_space<hbm>> -> memref<10000xf32, #tpu.memory_space<hbm>>
    tpu.enqueue_indirect_dma source(%dma_start3A_12 : memref<10000xf32, #tpu.memory_space<hbm>>) target(%dma_start3A_8 : memref<128xf32, #tpu.memory_space<vmem>>) offsets(%dma_start3A_10 : memref<128xi32, #tpu.memory_space<vmem>>) semaphore(%arg15 : memref<!tpu.dma_semaphore, #tpu.memory_space<semaphore_mem>>)
    %dma_start3A_13 = arith.constant 128 : i32
    %dma_start3A_14 = tpu.memref_slice %arg8[%dma_start3A_13] : memref<10240xi32, #tpu.memory_space<vmem>> -> memref<128xi32, #tpu.memory_space<vmem>>
    %dma_start3A_15 = arith.constant 0 : i32
    %dma_start3A_16 = arith.constant 0 : i32
    %dma_start3A_17 = tpu.memref_slice %arg2[%dma_start3A_15, %dma_start3A_16] : memref<10000x64xf32, #tpu.memory_space<hbm>> -> memref<10000x64xf32, #tpu.memory_space<hbm>>
    tpu.enqueue_indirect_dma source(%dma_start3A_17 : memref<10000x64xf32, #tpu.memory_space<hbm>>) target(%arg11 : memref<128x64xf32, #tpu.memory_space<vmem>>) offsets(%dma_start3A_14 : memref<128xi32, #tpu.memory_space<vmem>>) semaphore(%arg16 : memref<!tpu.dma_semaphore, #tpu.memory_space<semaphore_mem>>)
    %dma_start3A_18 = arith.constant 128 : i32
    %dma_start3A_19 = tpu.memref_slice %arg14[%dma_start3A_18] : memref<10240xf32, #tpu.memory_space<vmem>> -> memref<128xf32, #tpu.memory_space<vmem>>
    %dma_start3A_20 = arith.constant 128 : i32
    %dma_start3A_21 = tpu.memref_slice %arg9[%dma_start3A_20] : memref<10240xi32, #tpu.memory_space<vmem>> -> memref<128xi32, #tpu.memory_space<vmem>>
    %dma_start3A_22 = arith.constant 0 : i32
    %dma_start3A_23 = tpu.memref_slice %arg3[%dma_start3A_22] : memref<10000xf32, #tpu.memory_space<hbm>> -> memref<10000xf32, #tpu.memory_space<hbm>>
    tpu.enqueue_indirect_dma source(%dma_start3A_23 : memref<10000xf32, #tpu.memory_space<hbm>>) target(%dma_start3A_19 : memref<128xf32, #tpu.memory_space<vmem>>) offsets(%dma_start3A_21 : memref<128xi32, #tpu.memory_space<vmem>>) semaphore(%arg16 : memref<!tpu.dma_semaphore, #tpu.memory_space<semaphore_mem>>)
    %scan3A = arith.constant 0 : i32
    %scan3A_24 = arith.constant 0 : i32
    %scan3A_25 = arith.constant 20 : i32
    %scan3A_26 = arith.addi %scan3A_24, %scan3A_25 : i32
    %scan3A_27 = arith.constant 1 : i32
    scf.for %scan3A_52 = %scan3A_24 to %scan3A_26 step %scan3A_27  : i32 {
      %mul3A_53 = arith.constant 4 : i32
      %mul3A_54 = arith.muli %mul3A_53, %scan3A_52 : i32
      %add3A_55 = arith.constant 0 : i32
      %add3A_56 = arith.addi %mul3A_54, %add3A_55 : i32
      %mul3A_57 = arith.constant 128 : i32
      %mul3A_58 = arith.muli %add3A_56, %mul3A_57 : i32
      %dma_wait3A_59 = tpu.memref_slice %arg8[%mul3A_58] : memref<10240xi32, #tpu.memory_space<vmem>> -> memref<128xi32, #tpu.memory_space<vmem>>
      %dma_wait3A_60 = arith.constant 0 : i32
      %dma_wait3A_61 = arith.constant 0 : i32
      %dma_wait3A_62 = tpu.memref_slice %arg2[%dma_wait3A_60, %dma_wait3A_61] : memref<10000x64xf32, #tpu.memory_space<hbm>> -> memref<10000x64xf32, #tpu.memory_space<hbm>>
      tpu.wait_indirect_dma semaphore(%arg15 : memref<!tpu.dma_semaphore, #tpu.memory_space<semaphore_mem>>) src(%dma_wait3A_62 : memref<10000x64xf32, #tpu.memory_space<hbm>>) dst(%arg10 : memref<128x64xf32, #tpu.memory_space<vmem>>)
      %dma_wait3A_63 = tpu.memref_slice %arg14[%mul3A_58] : memref<10240xf32, #tpu.memory_space<vmem>> -> memref<128xf32, #tpu.memory_space<vmem>>
      %dma_wait3A_64 = tpu.memref_slice %arg9[%mul3A_58] : memref<10240xi32, #tpu.memory_space<vmem>> -> memref<128xi32, #tpu.memory_space<vmem>>
      %dma_wait3A_65 = arith.constant 0 : i32
      %dma_wait3A_66 = tpu.memref_slice %arg3[%dma_wait3A_65] : memref<10000xf32, #tpu.memory_space<hbm>> -> memref<10000xf32, #tpu.memory_space<hbm>>
      tpu.wait_indirect_dma semaphore(%arg15 : memref<!tpu.dma_semaphore, #tpu.memory_space<semaphore_mem>>) src(%dma_wait3A_66 : memref<10000xf32, #tpu.memory_space<hbm>>) dst(%dma_wait3A_63 : memref<128xf32, #tpu.memory_space<vmem>>)
      %add3A_67 = arith.addi %mul3A_2, %mul3A_58 : i32
      %dma_start3A_68 = arith.constant 0 : i32
      %dma_start3A_69 = tpu.memref_slice %arg6[%add3A_67, %dma_start3A_68] : memref<327680x64xf32, #tpu.memory_space<hbm>> -> memref<128x64xf32, #tpu.memory_space<hbm>>
      %dma_start3A_70 = arith.constant 0 : i32
      %dma_start3A_71 = tpu.memref_slice %arg6[%add3A_67, %dma_start3A_70] : memref<327680x64xf32, #tpu.memory_space<hbm>> -> memref<128x64xf32, #tpu.memory_space<hbm>>
      tpu.enqueue_dma source(%arg10 : memref<128x64xf32, #tpu.memory_space<vmem>>) target(%dma_start3A_71 : memref<128x64xf32, #tpu.memory_space<hbm>>) target_semaphore(%arg19 : memref<!tpu.dma_semaphore, #tpu.memory_space<semaphore_mem>>)
      %add3A_72 = arith.constant 2 : i32
      %add3A_73 = arith.addi %add3A_56, %add3A_72 : i32
      %lt3A = arith.constant 80 : i32
      %lt3A_74 = arith.cmpi slt, %add3A_73, %lt3A : i32
      %convert_element_type3A = arith.extui %lt3A_74 : i1 to i32
      %cond3A = arith.constant 0 : i32
      %cond3A_75 = arith.cmpi ne, %convert_element_type3A, %cond3A : i32
      scf.if %cond3A_75 {
        %ge3A = arith.constant 2 : i32
        %ge3A_154 = arith.cmpi sge, %add3A_56, %ge3A : i32
        %convert_element_type3A_155 = arith.extui %ge3A_154 : i1 to i32
        %cond3A_156 = arith.constant 0 : i32
        %cond3A_157 = arith.cmpi ne, %convert_element_type3A_155, %cond3A_156 : i32
        scf.if %cond3A_157 {
          %sub3A = arith.constant 256 : i32
          %sub3A_168 = arith.subi %mul3A_58, %sub3A : i32
          %add3A_169 = arith.addi %mul3A_2, %sub3A_168 : i32
          %dma_wait3A_170 = arith.constant 0 : i32
          %dma_wait3A_171 = tpu.memref_slice %arg6[%add3A_169, %dma_wait3A_170] : memref<327680x64xf32, #tpu.memory_space<hbm>> -> memref<128x64xf32, #tpu.memory_space<hbm>>
          %dma_wait3A_172 = arith.constant 0 : i32
          %dma_wait3A_173 = tpu.memref_slice %arg6[%add3A_169, %dma_wait3A_172] : memref<327680x64xf32, #tpu.memory_space<hbm>> -> memref<128x64xf32, #tpu.memory_space<hbm>>
          tpu.wait_dma2 semaphore(%arg21 : memref<!tpu.dma_semaphore, #tpu.memory_space<semaphore_mem>>) src(%arg12 : memref<128x64xf32, #tpu.memory_space<vmem>>) dst(%dma_wait3A_173 : memref<128x64xf32, #tpu.memory_space<hbm>>)
        } else {
        }
        %add3A_158 = arith.constant 256 : i32
        %add3A_159 = arith.addi %mul3A_58, %add3A_158 : i32
        %dma_start3A_160 = tpu.memref_slice %arg8[%add3A_159] : memref<10240xi32, #tpu.memory_space<vmem>> -> memref<128xi32, #tpu.memory_space<vmem>>
        %dma_start3A_161 = arith.constant 0 : i32
        %dma_start3A_162 = arith.constant 0 : i32
        %dma_start3A_163 = tpu.memref_slice %arg2[%dma_start3A_161, %dma_start3A_162] : memref<10000x64xf32, #tpu.memory_space<hbm>> -> memref<10000x64xf32, #tpu.memory_space<hbm>>
        tpu.enqueue_indirect_dma source(%dma_start3A_163 : memref<10000x64xf32, #tpu.memory_space<hbm>>) target(%arg12 : memref<128x64xf32, #tpu.memory_space<vmem>>) offsets(%dma_start3A_160 : memref<128xi32, #tpu.memory_space<vmem>>) semaphore(%arg17 : memref<!tpu.dma_semaphore, #tpu.memory_space<semaphore_mem>>)
        %dma_start3A_164 = tpu.memref_slice %arg14[%add3A_159] : memref<10240xf32, #tpu.memory_space<vmem>> -> memref<128xf32, #tpu.memory_space<vmem>>
        %dma_start3A_165 = tpu.memref_slice %arg9[%add3A_159] : memref<10240xi32, #tpu.memory_space<vmem>> -> memref<128xi32, #tpu.memory_space<vmem>>
        %dma_start3A_166 = arith.constant 0 : i32
        %dma_start3A_167 = tpu.memref_slice %arg3[%dma_start3A_166] : memref<10000xf32, #tpu.memory_space<hbm>> -> memref<10000xf32, #tpu.memory_space<hbm>>
        tpu.enqueue_indirect_dma source(%dma_start3A_167 : memref<10000xf32, #tpu.memory_space<hbm>>) target(%dma_start3A_164 : memref<128xf32, #tpu.memory_space<vmem>>) offsets(%dma_start3A_165 : memref<128xi32, #tpu.memory_space<vmem>>) semaphore(%arg17 : memref<!tpu.dma_semaphore, #tpu.memory_space<semaphore_mem>>)
      } else {
      }
      %mul3A_76 = arith.constant 4 : i32
      %mul3A_77 = arith.muli %mul3A_76, %scan3A_52 : i32
      %add3A_78 = arith.constant 1 : i32
      %add3A_79 = arith.addi %mul3A_77, %add3A_78 : i32
      %mul3A_80 = arith.constant 128 : i32
      %mul3A_81 = arith.muli %add3A_79, %mul3A_80 : i32
      %dma_wait3A_82 = tpu.memref_slice %arg8[%mul3A_81] : memref<10240xi32, #tpu.memory_space<vmem>> -> memref<128xi32, #tpu.memory_space<vmem>>
      %dma_wait3A_83 = arith.constant 0 : i32
      %dma_wait3A_84 = arith.constant 0 : i32
      %dma_wait3A_85 = tpu.memref_slice %arg2[%dma_wait3A_83, %dma_wait3A_84] : memref<10000x64xf32, #tpu.memory_space<hbm>> -> memref<10000x64xf32, #tpu.memory_space<hbm>>
      tpu.wait_indirect_dma semaphore(%arg16 : memref<!tpu.dma_semaphore, #tpu.memory_space<semaphore_mem>>) src(%dma_wait3A_85 : memref<10000x64xf32, #tpu.memory_space<hbm>>) dst(%arg11 : memref<128x64xf32, #tpu.memory_space<vmem>>)
      %dma_wait3A_86 = tpu.memref_slice %arg14[%mul3A_81] : memref<10240xf32, #tpu.memory_space<vmem>> -> memref<128xf32, #tpu.memory_space<vmem>>
      %dma_wait3A_87 = tpu.memref_slice %arg9[%mul3A_81] : memref<10240xi32, #tpu.memory_space<vmem>> -> memref<128xi32, #tpu.memory_space<vmem>>
      %dma_wait3A_88 = arith.constant 0 : i32
      %dma_wait3A_89 = tpu.memref_slice %arg3[%dma_wait3A_88] : memref<10000xf32, #tpu.memory_space<hbm>> -> memref<10000xf32, #tpu.memory_space<hbm>>
      tpu.wait_indirect_dma semaphore(%arg16 : memref<!tpu.dma_semaphore, #tpu.memory_space<semaphore_mem>>) src(%dma_wait3A_89 : memref<10000xf32, #tpu.memory_space<hbm>>) dst(%dma_wait3A_86 : memref<128xf32, #tpu.memory_space<vmem>>)
      %add3A_90 = arith.addi %mul3A_2, %mul3A_81 : i32
      %dma_start3A_91 = arith.constant 0 : i32
      %dma_start3A_92 = tpu.memref_slice %arg6[%add3A_90, %dma_start3A_91] : memref<327680x64xf32, #tpu.memory_space<hbm>> -> memref<128x64xf32, #tpu.memory_space<hbm>>
      %dma_start3A_93 = arith.constant 0 : i32
      %dma_start3A_94 = tpu.memref_slice %arg6[%add3A_90, %dma_start3A_93] : memref<327680x64xf32, #tpu.memory_space<hbm>> -> memref<128x64xf32, #tpu.memory_space<hbm>>
      tpu.enqueue_dma source(%arg11 : memref<128x64xf32, #tpu.memory_space<vmem>>) target(%dma_start3A_94 : memref<128x64xf32, #tpu.memory_space<hbm>>) target_semaphore(%arg20 : memref<!tpu.dma_semaphore, #tpu.memory_space<semaphore_mem>>)
      %add3A_95 = arith.constant 2 : i32
      %add3A_96 = arith.addi %add3A_79, %add3A_95 : i32
      %lt3A_97 = arith.constant 80 : i32
      %lt3A_98 = arith.cmpi slt, %add3A_96, %lt3A_97 : i32
      %convert_element_type3A_99 = arith.extui %lt3A_98 : i1 to i32
      %cond3A_100 = arith.constant 0 : i32
      %cond3A_101 = arith.cmpi ne, %convert_element_type3A_99, %cond3A_100 : i32
      scf.if %cond3A_101 {
        %ge3A = arith.constant 2 : i32
        %ge3A_154 = arith.cmpi sge, %add3A_79, %ge3A : i32
        %convert_element_type3A_155 = arith.extui %ge3A_154 : i1 to i32
        %cond3A_156 = arith.constant 0 : i32
        %cond3A_157 = arith.cmpi ne, %convert_element_type3A_155, %cond3A_156 : i32
        scf.if %cond3A_157 {
          %sub3A = arith.constant 256 : i32
          %sub3A_168 = arith.subi %mul3A_81, %sub3A : i32
          %add3A_169 = arith.addi %mul3A_2, %sub3A_168 : i32
          %dma_wait3A_170 = arith.constant 0 : i32
          %dma_wait3A_171 = tpu.memref_slice %arg6[%add3A_169, %dma_wait3A_170] : memref<327680x64xf32, #tpu.memory_space<hbm>> -> memref<128x64xf32, #tpu.memory_space<hbm>>
          %dma_wait3A_172 = arith.constant 0 : i32
          %dma_wait3A_173 = tpu.memref_slice %arg6[%add3A_169, %dma_wait3A_172] : memref<327680x64xf32, #tpu.memory_space<hbm>> -> memref<128x64xf32, #tpu.memory_space<hbm>>
          tpu.wait_dma2 semaphore(%arg22 : memref<!tpu.dma_semaphore, #tpu.memory_space<semaphore_mem>>) src(%arg13 : memref<128x64xf32, #tpu.memory_space<vmem>>) dst(%dma_wait3A_173 : memref<128x64xf32, #tpu.memory_space<hbm>>)
        } else {
        }
        %add3A_158 = arith.constant 256 : i32
        %add3A_159 = arith.addi %mul3A_81, %add3A_158 : i32
        %dma_start3A_160 = tpu.memref_slice %arg8[%add3A_159] : memref<10240xi32, #tpu.memory_space<vmem>> -> memref<128xi32, #tpu.memory_space<vmem>>
        %dma_start3A_161 = arith.constant 0 : i32
        %dma_start3A_162 = arith.constant 0 : i32
        %dma_start3A_163 = tpu.memref_slice %arg2[%dma_start3A_161, %dma_start3A_162] : memref<10000x64xf32, #tpu.memory_space<hbm>> -> memref<10000x64xf32, #tpu.memory_space<hbm>>
        tpu.enqueue_indirect_dma source(%dma_start3A_163 : memref<10000x64xf32, #tpu.memory_space<hbm>>) target(%arg13 : memref<128x64xf32, #tpu.memory_space<vmem>>) offsets(%dma_start3A_160 : memref<128xi32, #tpu.memory_space<vmem>>) semaphore(%arg18 : memref<!tpu.dma_semaphore, #tpu.memory_space<semaphore_mem>>)
        %dma_start3A_164 = tpu.memref_slice %arg14[%add3A_159] : memref<10240xf32, #tpu.memory_space<vmem>> -> memref<128xf32, #tpu.memory_space<vmem>>
        %dma_start3A_165 = tpu.memref_slice %arg9[%add3A_159] : memref<10240xi32, #tpu.memory_space<vmem>> -> memref<128xi32, #tpu.memory_space<vmem>>
        %dma_start3A_166 = arith.constant 0 : i32
        %dma_start3A_167 = tpu.memref_slice %arg3[%dma_start3A_166] : memref<10000xf32, #tpu.memory_space<hbm>> -> memref<10000xf32, #tpu.memory_space<hbm>>
        tpu.enqueue_indirect_dma source(%dma_start3A_167 : memref<10000xf32, #tpu.memory_space<hbm>>) target(%dma_start3A_164 : memref<128xf32, #tpu.memory_space<vmem>>) offsets(%dma_start3A_165 : memref<128xi32, #tpu.memory_space<vmem>>) semaphore(%arg18 : memref<!tpu.dma_semaphore, #tpu.memory_space<semaphore_mem>>)
      } else {
      }
      %mul3A_102 = arith.constant 4 : i32
      %mul3A_103 = arith.muli %mul3A_102, %scan3A_52 : i32
      %add3A_104 = arith.constant 2 : i32
      %add3A_105 = arith.addi %mul3A_103, %add3A_104 : i32
      %mul3A_106 = arith.constant 128 : i32
      %mul3A_107 = arith.muli %add3A_105, %mul3A_106 : i32
      %dma_wait3A_108 = tpu.memref_slice %arg8[%mul3A_107] : memref<10240xi32, #tpu.memory_space<vmem>> -> memref<128xi32, #tpu.memory_space<vmem>>
      %dma_wait3A_109 = arith.constant 0 : i32
      %dma_wait3A_110 = arith.constant 0 : i32
      %dma_wait3A_111 = tpu.memref_slice %arg2[%dma_wait3A_109, %dma_wait3A_110] : memref<10000x64xf32, #tpu.memory_space<hbm>> -> memref<10000x64xf32, #tpu.memory_space<hbm>>
      tpu.wait_indirect_dma semaphore(%arg17 : memref<!tpu.dma_semaphore, #tpu.memory_space<semaphore_mem>>) src(%dma_wait3A_111 : memref<10000x64xf32, #tpu.memory_space<hbm>>) dst(%arg12 : memref<128x64xf32, #tpu.memory_space<vmem>>)
      %dma_wait3A_112 = tpu.memref_slice %arg14[%mul3A_107] : memref<10240xf32, #tpu.memory_space<vmem>> -> memref<128xf32, #tpu.memory_space<vmem>>
      %dma_wait3A_113 = tpu.memref_slice %arg9[%mul3A_107] : memref<10240xi32, #tpu.memory_space<vmem>> -> memref<128xi32, #tpu.memory_space<vmem>>
      %dma_wait3A_114 = arith.constant 0 : i32
      %dma_wait3A_115 = tpu.memref_slice %arg3[%dma_wait3A_114] : memref<10000xf32, #tpu.memory_space<hbm>> -> memref<10000xf32, #tpu.memory_space<hbm>>
      tpu.wait_indirect_dma semaphore(%arg17 : memref<!tpu.dma_semaphore, #tpu.memory_space<semaphore_mem>>) src(%dma_wait3A_115 : memref<10000xf32, #tpu.memory_space<hbm>>) dst(%dma_wait3A_112 : memref<128xf32, #tpu.memory_space<vmem>>)
      %add3A_116 = arith.addi %mul3A_2, %mul3A_107 : i32
      %dma_start3A_117 = arith.constant 0 : i32
      %dma_start3A_118 = tpu.memref_slice %arg6[%add3A_116, %dma_start3A_117] : memref<327680x64xf32, #tpu.memory_space<hbm>> -> memref<128x64xf32, #tpu.memory_space<hbm>>
      %dma_start3A_119 = arith.constant 0 : i32
      %dma_start3A_120 = tpu.memref_slice %arg6[%add3A_116, %dma_start3A_119] : memref<327680x64xf32, #tpu.memory_space<hbm>> -> memref<128x64xf32, #tpu.memory_space<hbm>>
      tpu.enqueue_dma source(%arg12 : memref<128x64xf32, #tpu.memory_space<vmem>>) target(%dma_start3A_120 : memref<128x64xf32, #tpu.memory_space<hbm>>) target_semaphore(%arg21 : memref<!tpu.dma_semaphore, #tpu.memory_space<semaphore_mem>>)
      %add3A_121 = arith.constant 2 : i32
      %add3A_122 = arith.addi %add3A_105, %add3A_121 : i32
      %lt3A_123 = arith.constant 80 : i32
      %lt3A_124 = arith.cmpi slt, %add3A_122, %lt3A_123 : i32
      %convert_element_type3A_125 = arith.extui %lt3A_124 : i1 to i32
      %cond3A_126 = arith.constant 0 : i32
      %cond3A_127 = arith.cmpi ne, %convert_element_type3A_125, %cond3A_126 : i32
      scf.if %cond3A_127 {
        %ge3A = arith.constant 2 : i32
        %ge3A_154 = arith.cmpi sge, %add3A_105, %ge3A : i32
        %convert_element_type3A_155 = arith.extui %ge3A_154 : i1 to i32
        %cond3A_156 = arith.constant 0 : i32
        %cond3A_157 = arith.cmpi ne, %convert_element_type3A_155, %cond3A_156 : i32
        scf.if %cond3A_157 {
          %sub3A = arith.constant 256 : i32
          %sub3A_168 = arith.subi %mul3A_107, %sub3A : i32
          %add3A_169 = arith.addi %mul3A_2, %sub3A_168 : i32
          %dma_wait3A_170 = arith.constant 0 : i32
          %dma_wait3A_171 = tpu.memref_slice %arg6[%add3A_169, %dma_wait3A_170] : memref<327680x64xf32, #tpu.memory_space<hbm>> -> memref<128x64xf32, #tpu.memory_space<hbm>>
          %dma_wait3A_172 = arith.constant 0 : i32
          %dma_wait3A_173 = tpu.memref_slice %arg6[%add3A_169, %dma_wait3A_172] : memref<327680x64xf32, #tpu.memory_space<hbm>> -> memref<128x64xf32, #tpu.memory_space<hbm>>
          tpu.wait_dma2 semaphore(%arg19 : memref<!tpu.dma_semaphore, #tpu.memory_space<semaphore_mem>>) src(%arg10 : memref<128x64xf32, #tpu.memory_space<vmem>>) dst(%dma_wait3A_173 : memref<128x64xf32, #tpu.memory_space<hbm>>)
        } else {
        }
        %add3A_158 = arith.constant 256 : i32
        %add3A_159 = arith.addi %mul3A_107, %add3A_158 : i32
        %dma_start3A_160 = tpu.memref_slice %arg8[%add3A_159] : memref<10240xi32, #tpu.memory_space<vmem>> -> memref<128xi32, #tpu.memory_space<vmem>>
        %dma_start3A_161 = arith.constant 0 : i32
        %dma_start3A_162 = arith.constant 0 : i32
        %dma_start3A_163 = tpu.memref_slice %arg2[%dma_start3A_161, %dma_start3A_162] : memref<10000x64xf32, #tpu.memory_space<hbm>> -> memref<10000x64xf32, #tpu.memory_space<hbm>>
        tpu.enqueue_indirect_dma source(%dma_start3A_163 : memref<10000x64xf32, #tpu.memory_space<hbm>>) target(%arg10 : memref<128x64xf32, #tpu.memory_space<vmem>>) offsets(%dma_start3A_160 : memref<128xi32, #tpu.memory_space<vmem>>) semaphore(%arg15 : memref<!tpu.dma_semaphore, #tpu.memory_space<semaphore_mem>>)
        %dma_start3A_164 = tpu.memref_slice %arg14[%add3A_159] : memref<10240xf32, #tpu.memory_space<vmem>> -> memref<128xf32, #tpu.memory_space<vmem>>
        %dma_start3A_165 = tpu.memref_slice %arg9[%add3A_159] : memref<10240xi32, #tpu.memory_space<vmem>> -> memref<128xi32, #tpu.memory_space<vmem>>
        %dma_start3A_166 = arith.constant 0 : i32
        %dma_start3A_167 = tpu.memref_slice %arg3[%dma_start3A_166] : memref<10000xf32, #tpu.memory_space<hbm>> -> memref<10000xf32, #tpu.memory_space<hbm>>
        tpu.enqueue_indirect_dma source(%dma_start3A_167 : memref<10000xf32, #tpu.memory_space<hbm>>) target(%dma_start3A_164 : memref<128xf32, #tpu.memory_space<vmem>>) offsets(%dma_start3A_165 : memref<128xi32, #tpu.memory_space<vmem>>) semaphore(%arg15 : memref<!tpu.dma_semaphore, #tpu.memory_space<semaphore_mem>>)
      } else {
      }
      %mul3A_128 = arith.constant 4 : i32
      %mul3A_129 = arith.muli %mul3A_128, %scan3A_52 : i32
      %add3A_130 = arith.constant 3 : i32
      %add3A_131 = arith.addi %mul3A_129, %add3A_130 : i32
      %mul3A_132 = arith.constant 128 : i32
      %mul3A_133 = arith.muli %add3A_131, %mul3A_132 : i32
      %dma_wait3A_134 = tpu.memref_slice %arg8[%mul3A_133] : memref<10240xi32, #tpu.memory_space<vmem>> -> memref<128xi32, #tpu.memory_space<vmem>>
      %dma_wait3A_135 = arith.constant 0 : i32
      %dma_wait3A_136 = arith.constant 0 : i32
      %dma_wait3A_137 = tpu.memref_slice %arg2[%dma_wait3A_135, %dma_wait3A_136] : memref<10000x64xf32, #tpu.memory_space<hbm>> -> memref<10000x64xf32, #tpu.memory_space<hbm>>
      tpu.wait_indirect_dma semaphore(%arg18 : memref<!tpu.dma_semaphore, #tpu.memory_space<semaphore_mem>>) src(%dma_wait3A_137 : memref<10000x64xf32, #tpu.memory_space<hbm>>) dst(%arg13 : memref<128x64xf32, #tpu.memory_space<vmem>>)
      %dma_wait3A_138 = tpu.memref_slice %arg14[%mul3A_133] : memref<10240xf32, #tpu.memory_space<vmem>> -> memref<128xf32, #tpu.memory_space<vmem>>
      %dma_wait3A_139 = tpu.memref_slice %arg9[%mul3A_133] : memref<10240xi32, #tpu.memory_space<vmem>> -> memref<128xi32, #tpu.memory_space<vmem>>
      %dma_wait3A_140 = arith.constant 0 : i32
      %dma_wait3A_141 = tpu.memref_slice %arg3[%dma_wait3A_140] : memref<10000xf32, #tpu.memory_space<hbm>> -> memref<10000xf32, #tpu.memory_space<hbm>>
      tpu.wait_indirect_dma semaphore(%arg18 : memref<!tpu.dma_semaphore, #tpu.memory_space<semaphore_mem>>) src(%dma_wait3A_141 : memref<10000xf32, #tpu.memory_space<hbm>>) dst(%dma_wait3A_138 : memref<128xf32, #tpu.memory_space<vmem>>)
      %add3A_142 = arith.addi %mul3A_2, %mul3A_133 : i32
      %dma_start3A_143 = arith.constant 0 : i32
      %dma_start3A_144 = tpu.memref_slice %arg6[%add3A_142, %dma_start3A_143] : memref<327680x64xf32, #tpu.memory_space<hbm>> -> memref<128x64xf32, #tpu.memory_space<hbm>>
      %dma_start3A_145 = arith.constant 0 : i32
      %dma_start3A_146 = tpu.memref_slice %arg6[%add3A_142, %dma_start3A_145] : memref<327680x64xf32, #tpu.memory_space<hbm>> -> memref<128x64xf32, #tpu.memory_space<hbm>>
      tpu.enqueue_dma source(%arg13 : memref<128x64xf32, #tpu.memory_space<vmem>>) target(%dma_start3A_146 : memref<128x64xf32, #tpu.memory_space<hbm>>) target_semaphore(%arg22 : memref<!tpu.dma_semaphore, #tpu.memory_space<semaphore_mem>>)
      %add3A_147 = arith.constant 2 : i32
      %add3A_148 = arith.addi %add3A_131, %add3A_147 : i32
      %lt3A_149 = arith.constant 80 : i32
      %lt3A_150 = arith.cmpi slt, %add3A_148, %lt3A_149 : i32
      %convert_element_type3A_151 = arith.extui %lt3A_150 : i1 to i32
      %cond3A_152 = arith.constant 0 : i32
      %cond3A_153 = arith.cmpi ne, %convert_element_type3A_151, %cond3A_152 : i32
      scf.if %cond3A_153 {
        %ge3A = arith.constant 2 : i32
        %ge3A_154 = arith.cmpi sge, %add3A_131, %ge3A : i32
        %convert_element_type3A_155 = arith.extui %ge3A_154 : i1 to i32
        %cond3A_156 = arith.constant 0 : i32
        %cond3A_157 = arith.cmpi ne, %convert_element_type3A_155, %cond3A_156 : i32
        scf.if %cond3A_157 {
          %sub3A = arith.constant 256 : i32
          %sub3A_168 = arith.subi %mul3A_133, %sub3A : i32
          %add3A_169 = arith.addi %mul3A_2, %sub3A_168 : i32
          %dma_wait3A_170 = arith.constant 0 : i32
          %dma_wait3A_171 = tpu.memref_slice %arg6[%add3A_169, %dma_wait3A_170] : memref<327680x64xf32, #tpu.memory_space<hbm>> -> memref<128x64xf32, #tpu.memory_space<hbm>>
          %dma_wait3A_172 = arith.constant 0 : i32
          %dma_wait3A_173 = tpu.memref_slice %arg6[%add3A_169, %dma_wait3A_172] : memref<327680x64xf32, #tpu.memory_space<hbm>> -> memref<128x64xf32, #tpu.memory_space<hbm>>
          tpu.wait_dma2 semaphore(%arg20 : memref<!tpu.dma_semaphore, #tpu.memory_space<semaphore_mem>>) src(%arg11 : memref<128x64xf32, #tpu.memory_space<vmem>>) dst(%dma_wait3A_173 : memref<128x64xf32, #tpu.memory_space<hbm>>)
        } else {
        }
        %add3A_158 = arith.constant 256 : i32
        %add3A_159 = arith.addi %mul3A_133, %add3A_158 : i32
        %dma_start3A_160 = tpu.memref_slice %arg8[%add3A_159] : memref<10240xi32, #tpu.memory_space<vmem>> -> memref<128xi32, #tpu.memory_space<vmem>>
        %dma_start3A_161 = arith.constant 0 : i32
        %dma_start3A_162 = arith.constant 0 : i32
        %dma_start3A_163 = tpu.memref_slice %arg2[%dma_start3A_161, %dma_start3A_162] : memref<10000x64xf32, #tpu.memory_space<hbm>> -> memref<10000x64xf32, #tpu.memory_space<hbm>>
        tpu.enqueue_indirect_dma source(%dma_start3A_163 : memref<10000x64xf32, #tpu.memory_space<hbm>>) target(%arg11 : memref<128x64xf32, #tpu.memory_space<vmem>>) offsets(%dma_start3A_160 : memref<128xi32, #tpu.memory_space<vmem>>) semaphore(%arg16 : memref<!tpu.dma_semaphore, #tpu.memory_space<semaphore_mem>>)
        %dma_start3A_164 = tpu.memref_slice %arg14[%add3A_159] : memref<10240xf32, #tpu.memory_space<vmem>> -> memref<128xf32, #tpu.memory_space<vmem>>
        %dma_start3A_165 = tpu.memref_slice %arg9[%add3A_159] : memref<10240xi32, #tpu.memory_space<vmem>> -> memref<128xi32, #tpu.memory_space<vmem>>
        %dma_start3A_166 = arith.constant 0 : i32
        %dma_start3A_167 = tpu.memref_slice %arg3[%dma_start3A_166] : memref<10000xf32, #tpu.memory_space<hbm>> -> memref<10000xf32, #tpu.memory_space<hbm>>
        tpu.enqueue_indirect_dma source(%dma_start3A_167 : memref<10000xf32, #tpu.memory_space<hbm>>) target(%dma_start3A_164 : memref<128xf32, #tpu.memory_space<vmem>>) offsets(%dma_start3A_165 : memref<128xi32, #tpu.memory_space<vmem>>) semaphore(%arg16 : memref<!tpu.dma_semaphore, #tpu.memory_space<semaphore_mem>>)
      } else {
      }
    }
    %scan3A_28 = arith.constant 20 : i32
    %add3A_29 = arith.constant 9728 : i32
    %add3A_30 = arith.addi %mul3A_2, %add3A_29 : i32
    %dma_wait3A = arith.constant 0 : i32
    %dma_wait3A_31 = tpu.memref_slice %arg6[%add3A_30, %dma_wait3A] : memref<327680x64xf32, #tpu.memory_space<hbm>> -> memref<128x64xf32, #tpu.memory_space<hbm>>
    %dma_wait3A_32 = arith.constant 0 : i32
    %dma_wait3A_33 = tpu.memref_slice %arg6[%add3A_30, %dma_wait3A_32] : memref<327680x64xf32, #tpu.memory_space<hbm>> -> memref<128x64xf32, #tpu.memory_space<hbm>>
    tpu.wait_dma2 semaphore(%arg19 : memref<!tpu.dma_semaphore, #tpu.memory_space<semaphore_mem>>) src(%arg10 : memref<128x64xf32, #tpu.memory_space<vmem>>) dst(%dma_wait3A_33 : memref<128x64xf32, #tpu.memory_space<hbm>>)
    %add3A_34 = arith.constant 9856 : i32
    %add3A_35 = arith.addi %mul3A_2, %add3A_34 : i32
    %dma_wait3A_36 = arith.constant 0 : i32
    %dma_wait3A_37 = tpu.memref_slice %arg6[%add3A_35, %dma_wait3A_36] : memref<327680x64xf32, #tpu.memory_space<hbm>> -> memref<128x64xf32, #tpu.memory_space<hbm>>
    %dma_wait3A_38 = arith.constant 0 : i32
    %dma_wait3A_39 = tpu.memref_slice %arg6[%add3A_35, %dma_wait3A_38] : memref<327680x64xf32, #tpu.memory_space<hbm>> -> memref<128x64xf32, #tpu.memory_space<hbm>>
    tpu.wait_dma2 semaphore(%arg20 : memref<!tpu.dma_semaphore, #tpu.memory_space<semaphore_mem>>) src(%arg11 : memref<128x64xf32, #tpu.memory_space<vmem>>) dst(%dma_wait3A_39 : memref<128x64xf32, #tpu.memory_space<hbm>>)
    %add3A_40 = arith.constant 9984 : i32
    %add3A_41 = arith.addi %mul3A_2, %add3A_40 : i32
    %dma_wait3A_42 = arith.constant 0 : i32
    %dma_wait3A_43 = tpu.memref_slice %arg6[%add3A_41, %dma_wait3A_42] : memref<327680x64xf32, #tpu.memory_space<hbm>> -> memref<128x64xf32, #tpu.memory_space<hbm>>
    %dma_wait3A_44 = arith.constant 0 : i32
    %dma_wait3A_45 = tpu.memref_slice %arg6[%add3A_41, %dma_wait3A_44] : memref<327680x64xf32, #tpu.memory_space<hbm>> -> memref<128x64xf32, #tpu.memory_space<hbm>>
    tpu.wait_dma2 semaphore(%arg21 : memref<!tpu.dma_semaphore, #tpu.memory_space<semaphore_mem>>) src(%arg12 : memref<128x64xf32, #tpu.memory_space<vmem>>) dst(%dma_wait3A_45 : memref<128x64xf32, #tpu.memory_space<hbm>>)
    %add3A_46 = arith.constant 10112 : i32
    %add3A_47 = arith.addi %mul3A_2, %add3A_46 : i32
    %dma_wait3A_48 = arith.constant 0 : i32
    %dma_wait3A_49 = tpu.memref_slice %arg6[%add3A_47, %dma_wait3A_48] : memref<327680x64xf32, #tpu.memory_space<hbm>> -> memref<128x64xf32, #tpu.memory_space<hbm>>
    %dma_wait3A_50 = arith.constant 0 : i32
    %dma_wait3A_51 = tpu.memref_slice %arg6[%add3A_47, %dma_wait3A_50] : memref<327680x64xf32, #tpu.memory_space<hbm>> -> memref<128x64xf32, #tpu.memory_space<hbm>>
    tpu.wait_dma2 semaphore(%arg22 : memref<!tpu.dma_semaphore, #tpu.memory_space<semaphore_mem>>) src(%arg13 : memref<128x64xf32, #tpu.memory_space<vmem>>) dst(%dma_wait3A_51 : memref<128x64xf32, #tpu.memory_space<hbm>>)
    "tpu.region"() ({
      %run_scoped3A = tpu.sem_alloc : memref<!tpu.dma_semaphore, #tpu.memory_space<semaphore_mem>>
      %dma_start3A_52 = tpu.memref_slice %arg7[%mul3A_2] : memref<327680xf32, #tpu.memory_space<hbm>> -> memref<10240xf32, #tpu.memory_space<hbm>>
      %dma_start3A_53 = tpu.memref_slice %arg7[%mul3A_2] : memref<327680xf32, #tpu.memory_space<hbm>> -> memref<10240xf32, #tpu.memory_space<hbm>>
      tpu.enqueue_dma source(%arg14 : memref<10240xf32, #tpu.memory_space<vmem>>) target(%dma_start3A_53 : memref<10240xf32, #tpu.memory_space<hbm>>) target_semaphore(%run_scoped3A : memref<!tpu.dma_semaphore, #tpu.memory_space<semaphore_mem>>)
      %dma_wait3A_54 = tpu.memref_slice %arg7[%mul3A_2] : memref<327680xf32, #tpu.memory_space<hbm>> -> memref<10240xf32, #tpu.memory_space<hbm>>
      %dma_wait3A_55 = tpu.memref_slice %arg7[%mul3A_2] : memref<327680xf32, #tpu.memory_space<hbm>> -> memref<10240xf32, #tpu.memory_space<hbm>>
      tpu.wait_dma2 semaphore(%run_scoped3A : memref<!tpu.dma_semaphore, #tpu.memory_space<semaphore_mem>>) src(%arg14 : memref<10240xf32, #tpu.memory_space<vmem>>) dst(%dma_wait3A_55 : memref<10240xf32, #tpu.memory_space<hbm>>)
      tpu.yield
    }) : () -> ()
    return
  }
}

#map = affine_map<(d0, d1) -> (0, 0)>
#map1 = affine_map<(d0, d1) -> (0)>
#map2 = affine_map<(d0, d1) -> (0, 0, 0)>
module attributes {stable_mosaic.version = 14 : i64} {
  func.func @_scatter_body(%arg0: i32, %arg1: i32, %arg2: memref<327680x80xf32, #tpu.memory_space<hbm>>, %arg3: memref<327680xi32, #tpu.memory_space<hbm>>, %arg4: memref<2x10000x80xf32, #tpu.memory_space<hbm>>, %arg5: memref<128xi32, #tpu.memory_space<vmem>>, %arg6: memref<128xi32, #tpu.memory_space<vmem>>, %arg7: memref<128xi32, #tpu.memory_space<vmem>>, %arg8: memref<128xi32, #tpu.memory_space<vmem>>, %arg9: memref<128x80xf32, #tpu.memory_space<vmem>>, %arg10: memref<128x80xf32, #tpu.memory_space<vmem>>, %arg11: memref<128x80xf32, #tpu.memory_space<vmem>>, %arg12: memref<128x80xf32, #tpu.memory_space<vmem>>, %arg13: memref<125x80xf32, #tpu.memory_space<vmem>>, %arg14: memref<10000x80xf32, #tpu.memory_space<vmem_shared>>, %arg15: memref<!tpu.dma_semaphore, #tpu.memory_space<semaphore_mem>>, %arg16: memref<!tpu.dma_semaphore, #tpu.memory_space<semaphore_mem>>, %arg17: memref<!tpu.dma_semaphore, #tpu.memory_space<semaphore_mem>>, %arg18: memref<!tpu.dma_semaphore, #tpu.memory_space<semaphore_mem>>, %arg19: memref<!tpu.dma_semaphore, #tpu.memory_space<semaphore_mem>>, %arg20: memref<!tpu.dma_semaphore, #tpu.memory_space<semaphore_mem>>, %arg21: memref<!tpu.dma_semaphore, #tpu.memory_space<semaphore_mem>>, %arg22: memref<!tpu.dma_semaphore, #tpu.memory_space<semaphore_mem>>) attributes {dimension_semantics = [#tpu.dimension_semantics<core_parallel>, #tpu.dimension_semantics<subcore_parallel>], iteration_bounds = array<i64: 2, 16>, scalar_prefetch = 0 : i64, scratch_operands = 18 : i64, tpu.core_type = #tpu.core_type<sc_vector_subcore>, window_params = [{transform_indices = #map}, {transform_indices = #map1}, {transform_indices = #map2}]} {
    %mul3A = arith.constant 2 : i32
    %mul3A_0 = arith.muli %arg1, %mul3A : i32
    %add3A = arith.addi %mul3A_0, %arg0 : i32
    %mul3A_1 = arith.constant 10240 : i32
    %mul3A_2 = arith.muli %add3A, %mul3A_1 : i32
    %scan3A = arith.constant 0 : i32
    %scan3A_3 = arith.constant 0 : i32
    %scan3A_4 = arith.constant 125 : i32
    %scan3A_5 = arith.addi %scan3A_3, %scan3A_4 : i32
    %scan3A_6 = arith.constant 1 : i32
    scf.for %scan3A_63 = %scan3A_3 to %scan3A_5 step %scan3A_6  : i32 {
      %broadcast_in_dim3A = arith.constant 0.000000e+00 : f32
      %broadcast_in_dim3A_64 = vector.broadcast %broadcast_in_dim3A : f32 to vector<16xf32>
      %swap3A = arith.index_cast %scan3A_63 : i32 to index
      %swap3A_65 = arith.constant 0 : index
      %swap3A_66 = tpu.vector_load %arg13[%swap3A, %swap3A_65] {strides = array<i32>} : memref<125x80xf32, #tpu.memory_space<vmem>>, vector<1x16xf32>,
      %swap3A_67 = vector.shape_cast %swap3A_66 : vector<1x16xf32> to vector<16xf32>
      %swap3A_68 = vector.shape_cast %broadcast_in_dim3A_64 : vector<16xf32> to vector<1x16xf32>
      tpu.vector_store %arg13[%swap3A, %swap3A_65], %swap3A_68 {strides = array<i32>} : memref<125x80xf32, #tpu.memory_space<vmem>>, vector<1x16xf32>,
      %broadcast_in_dim3A_69 = arith.constant 0.000000e+00 : f32
      %broadcast_in_dim3A_70 = vector.broadcast %broadcast_in_dim3A_69 : f32 to vector<16xf32>
      %swap3A_71 = arith.index_cast %scan3A_63 : i32 to index
      %swap3A_72 = arith.constant 16 : index
      %swap3A_73 = tpu.vector_load %arg13[%swap3A_71, %swap3A_72] {strides = array<i32>} : memref<125x80xf32, #tpu.memory_space<vmem>>, vector<1x16xf32>,
      %swap3A_74 = vector.shape_cast %swap3A_73 : vector<1x16xf32> to vector<16xf32>
      %swap3A_75 = vector.shape_cast %broadcast_in_dim3A_70 : vector<16xf32> to vector<1x16xf32>
      tpu.vector_store %arg13[%swap3A_71, %swap3A_72], %swap3A_75 {strides = array<i32>} : memref<125x80xf32, #tpu.memory_space<vmem>>, vector<1x16xf32>,
      %broadcast_in_dim3A_76 = arith.constant 0.000000e+00 : f32
      %broadcast_in_dim3A_77 = vector.broadcast %broadcast_in_dim3A_76 : f32 to vector<16xf32>
      %swap3A_78 = arith.index_cast %scan3A_63 : i32 to index
      %swap3A_79 = arith.constant 32 : index
      %swap3A_80 = tpu.vector_load %arg13[%swap3A_78, %swap3A_79] {strides = array<i32>} : memref<125x80xf32, #tpu.memory_space<vmem>>, vector<1x16xf32>,
      %swap3A_81 = vector.shape_cast %swap3A_80 : vector<1x16xf32> to vector<16xf32>
      %swap3A_82 = vector.shape_cast %broadcast_in_dim3A_77 : vector<16xf32> to vector<1x16xf32>
      tpu.vector_store %arg13[%swap3A_78, %swap3A_79], %swap3A_82 {strides = array<i32>} : memref<125x80xf32, #tpu.memory_space<vmem>>, vector<1x16xf32>,
      %broadcast_in_dim3A_83 = arith.constant 0.000000e+00 : f32
      %broadcast_in_dim3A_84 = vector.broadcast %broadcast_in_dim3A_83 : f32 to vector<16xf32>
      %swap3A_85 = arith.index_cast %scan3A_63 : i32 to index
      %swap3A_86 = arith.constant 48 : index
      %swap3A_87 = tpu.vector_load %arg13[%swap3A_85, %swap3A_86] {strides = array<i32>} : memref<125x80xf32, #tpu.memory_space<vmem>>, vector<1x16xf32>,
      %swap3A_88 = vector.shape_cast %swap3A_87 : vector<1x16xf32> to vector<16xf32>
      %swap3A_89 = vector.shape_cast %broadcast_in_dim3A_84 : vector<16xf32> to vector<1x16xf32>
      tpu.vector_store %arg13[%swap3A_85, %swap3A_86], %swap3A_89 {strides = array<i32>} : memref<125x80xf32, #tpu.memory_space<vmem>>, vector<1x16xf32>,
      %broadcast_in_dim3A_90 = arith.constant 0.000000e+00 : f32
      %broadcast_in_dim3A_91 = vector.broadcast %broadcast_in_dim3A_90 : f32 to vector<16xf32>
      %swap3A_92 = arith.index_cast %scan3A_63 : i32 to index
      %swap3A_93 = arith.constant 64 : index
      %swap3A_94 = tpu.vector_load %arg13[%swap3A_92, %swap3A_93] {strides = array<i32>} : memref<125x80xf32, #tpu.memory_space<vmem>>, vector<1x16xf32>,
      %swap3A_95 = vector.shape_cast %swap3A_94 : vector<1x16xf32> to vector<16xf32>
      %swap3A_96 = vector.shape_cast %broadcast_in_dim3A_91 : vector<16xf32> to vector<1x16xf32>
      tpu.vector_store %arg13[%swap3A_92, %swap3A_93], %swap3A_96 {strides = array<i32>} : memref<125x80xf32, #tpu.memory_space<vmem>>, vector<1x16xf32>,
    }
    %scan3A_7 = arith.constant 125 : i32
    %mul3A_8 = arith.constant 625 : i32
    %mul3A_9 = arith.muli %arg1, %mul3A_8 : i32
    %add3A_10 = arith.constant 0 : i32
    %add3A_11 = arith.addi %mul3A_9, %add3A_10 : i32
    "tpu.region"() ({
      %run_scoped3A = tpu.sem_alloc : memref<!tpu.dma_semaphore, #tpu.memory_space<semaphore_mem>>
      %dma_start3A_63 = arith.constant 0 : i32
      %dma_start3A_64 = tpu.memref_slice %arg14[%add3A_11, %dma_start3A_63] : memref<10000x80xf32, #tpu.memory_space<vmem_shared>> -> memref<125x80xf32, #tpu.memory_space<vmem_shared>>
      %dma_start3A_65 = arith.constant 0 : i32
      %dma_start3A_66 = tpu.memref_slice %arg14[%add3A_11, %dma_start3A_65] : memref<10000x80xf32, #tpu.memory_space<vmem_shared>> -> memref<125x80xf32, #tpu.memory_space<vmem_shared>>
      tpu.enqueue_dma source(%arg13 : memref<125x80xf32, #tpu.memory_space<vmem>>) target(%dma_start3A_66 : memref<125x80xf32, #tpu.memory_space<vmem_shared>>) target_semaphore(%run_scoped3A : memref<!tpu.dma_semaphore, #tpu.memory_space<semaphore_mem>>)
      %dma_wait3A_67 = arith.constant 0 : i32
      %dma_wait3A_68 = tpu.memref_slice %arg14[%add3A_11, %dma_wait3A_67] : memref<10000x80xf32, #tpu.memory_space<vmem_shared>> -> memref<125x80xf32, #tpu.memory_space<vmem_shared>>
      %dma_wait3A_69 = arith.constant 0 : i32
      %dma_wait3A_70 = tpu.memref_slice %arg14[%add3A_11, %dma_wait3A_69] : memref<10000x80xf32, #tpu.memory_space<vmem_shared>> -> memref<125x80xf32, #tpu.memory_space<vmem_shared>>
      tpu.wait_dma2 semaphore(%run_scoped3A : memref<!tpu.dma_semaphore, #tpu.memory_space<semaphore_mem>>) src(%arg13 : memref<125x80xf32, #tpu.memory_space<vmem>>) dst(%dma_wait3A_70 : memref<125x80xf32, #tpu.memory_space<vmem_shared>>)
      tpu.yield
    }) : () -> ()
    %mul3A_12 = arith.constant 625 : i32
    %mul3A_13 = arith.muli %arg1, %mul3A_12 : i32
    %add3A_14 = arith.constant 125 : i32
    %add3A_15 = arith.addi %mul3A_13, %add3A_14 : i32
    "tpu.region"() ({
      %run_scoped3A = tpu.sem_alloc : memref<!tpu.dma_semaphore, #tpu.memory_space<semaphore_mem>>
      %dma_start3A_63 = arith.constant 0 : i32
      %dma_start3A_64 = tpu.memref_slice %arg14[%add3A_15, %dma_start3A_63] : memref<10000x80xf32, #tpu.memory_space<vmem_shared>> -> memref<125x80xf32, #tpu.memory_space<vmem_shared>>
      %dma_start3A_65 = arith.constant 0 : i32
      %dma_start3A_66 = tpu.memref_slice %arg14[%add3A_15, %dma_start3A_65] : memref<10000x80xf32, #tpu.memory_space<vmem_shared>> -> memref<125x80xf32, #tpu.memory_space<vmem_shared>>
      tpu.enqueue_dma source(%arg13 : memref<125x80xf32, #tpu.memory_space<vmem>>) target(%dma_start3A_66 : memref<125x80xf32, #tpu.memory_space<vmem_shared>>) target_semaphore(%run_scoped3A : memref<!tpu.dma_semaphore, #tpu.memory_space<semaphore_mem>>)
      %dma_wait3A_67 = arith.constant 0 : i32
      %dma_wait3A_68 = tpu.memref_slice %arg14[%add3A_15, %dma_wait3A_67] : memref<10000x80xf32, #tpu.memory_space<vmem_shared>> -> memref<125x80xf32, #tpu.memory_space<vmem_shared>>
      %dma_wait3A_69 = arith.constant 0 : i32
      %dma_wait3A_70 = tpu.memref_slice %arg14[%add3A_15, %dma_wait3A_69] : memref<10000x80xf32, #tpu.memory_space<vmem_shared>> -> memref<125x80xf32, #tpu.memory_space<vmem_shared>>
      tpu.wait_dma2 semaphore(%run_scoped3A : memref<!tpu.dma_semaphore, #tpu.memory_space<semaphore_mem>>) src(%arg13 : memref<125x80xf32, #tpu.memory_space<vmem>>) dst(%dma_wait3A_70 : memref<125x80xf32, #tpu.memory_space<vmem_shared>>)
      tpu.yield
    }) : () -> ()
    %mul3A_16 = arith.constant 625 : i32
    %mul3A_17 = arith.muli %arg1, %mul3A_16 : i32
    %add3A_18 = arith.constant 250 : i32
    %add3A_19 = arith.addi %mul3A_17, %add3A_18 : i32
    "tpu.region"() ({
      %run_scoped3A = tpu.sem_alloc : memref<!tpu.dma_semaphore, #tpu.memory_space<semaphore_mem>>
      %dma_start3A_63 = arith.constant 0 : i32
      %dma_start3A_64 = tpu.memref_slice %arg14[%add3A_19, %dma_start3A_63] : memref<10000x80xf32, #tpu.memory_space<vmem_shared>> -> memref<125x80xf32, #tpu.memory_space<vmem_shared>>
      %dma_start3A_65 = arith.constant 0 : i32
      %dma_start3A_66 = tpu.memref_slice %arg14[%add3A_19, %dma_start3A_65] : memref<10000x80xf32, #tpu.memory_space<vmem_shared>> -> memref<125x80xf32, #tpu.memory_space<vmem_shared>>
      tpu.enqueue_dma source(%arg13 : memref<125x80xf32, #tpu.memory_space<vmem>>) target(%dma_start3A_66 : memref<125x80xf32, #tpu.memory_space<vmem_shared>>) target_semaphore(%run_scoped3A : memref<!tpu.dma_semaphore, #tpu.memory_space<semaphore_mem>>)
      %dma_wait3A_67 = arith.constant 0 : i32
      %dma_wait3A_68 = tpu.memref_slice %arg14[%add3A_19, %dma_wait3A_67] : memref<10000x80xf32, #tpu.memory_space<vmem_shared>> -> memref<125x80xf32, #tpu.memory_space<vmem_shared>>
      %dma_wait3A_69 = arith.constant 0 : i32
      %dma_wait3A_70 = tpu.memref_slice %arg14[%add3A_19, %dma_wait3A_69] : memref<10000x80xf32, #tpu.memory_space<vmem_shared>> -> memref<125x80xf32, #tpu.memory_space<vmem_shared>>
      tpu.wait_dma2 semaphore(%run_scoped3A : memref<!tpu.dma_semaphore, #tpu.memory_space<semaphore_mem>>) src(%arg13 : memref<125x80xf32, #tpu.memory_space<vmem>>) dst(%dma_wait3A_70 : memref<125x80xf32, #tpu.memory_space<vmem_shared>>)
      tpu.yield
    }) : () -> ()
    %mul3A_20 = arith.constant 625 : i32
    %mul3A_21 = arith.muli %arg1, %mul3A_20 : i32
    %add3A_22 = arith.constant 375 : i32
    %add3A_23 = arith.addi %mul3A_21, %add3A_22 : i32
    "tpu.region"() ({
      %run_scoped3A = tpu.sem_alloc : memref<!tpu.dma_semaphore, #tpu.memory_space<semaphore_mem>>
      %dma_start3A_63 = arith.constant 0 : i32
      %dma_start3A_64 = tpu.memref_slice %arg14[%add3A_23, %dma_start3A_63] : memref<10000x80xf32, #tpu.memory_space<vmem_shared>> -> memref<125x80xf32, #tpu.memory_space<vmem_shared>>
      %dma_start3A_65 = arith.constant 0 : i32
      %dma_start3A_66 = tpu.memref_slice %arg14[%add3A_23, %dma_start3A_65] : memref<10000x80xf32, #tpu.memory_space<vmem_shared>> -> memref<125x80xf32, #tpu.memory_space<vmem_shared>>
      tpu.enqueue_dma source(%arg13 : memref<125x80xf32, #tpu.memory_space<vmem>>) target(%dma_start3A_66 : memref<125x80xf32, #tpu.memory_space<vmem_shared>>) target_semaphore(%run_scoped3A : memref<!tpu.dma_semaphore, #tpu.memory_space<semaphore_mem>>)
      %dma_wait3A_67 = arith.constant 0 : i32
      %dma_wait3A_68 = tpu.memref_slice %arg14[%add3A_23, %dma_wait3A_67] : memref<10000x80xf32, #tpu.memory_space<vmem_shared>> -> memref<125x80xf32, #tpu.memory_space<vmem_shared>>
      %dma_wait3A_69 = arith.constant 0 : i32
      %dma_wait3A_70 = tpu.memref_slice %arg14[%add3A_23, %dma_wait3A_69] : memref<10000x80xf32, #tpu.memory_space<vmem_shared>> -> memref<125x80xf32, #tpu.memory_space<vmem_shared>>
      tpu.wait_dma2 semaphore(%run_scoped3A : memref<!tpu.dma_semaphore, #tpu.memory_space<semaphore_mem>>) src(%arg13 : memref<125x80xf32, #tpu.memory_space<vmem>>) dst(%dma_wait3A_70 : memref<125x80xf32, #tpu.memory_space<vmem_shared>>)
      tpu.yield
    }) : () -> ()
    %mul3A_24 = arith.constant 625 : i32
    %mul3A_25 = arith.muli %arg1, %mul3A_24 : i32
    %add3A_26 = arith.constant 500 : i32
    %add3A_27 = arith.addi %mul3A_25, %add3A_26 : i32
    "tpu.region"() ({
      %run_scoped3A = tpu.sem_alloc : memref<!tpu.dma_semaphore, #tpu.memory_space<semaphore_mem>>
      %dma_start3A_63 = arith.constant 0 : i32
      %dma_start3A_64 = tpu.memref_slice %arg14[%add3A_27, %dma_start3A_63] : memref<10000x80xf32, #tpu.memory_space<vmem_shared>> -> memref<125x80xf32, #tpu.memory_space<vmem_shared>>
      %dma_start3A_65 = arith.constant 0 : i32
      %dma_start3A_66 = tpu.memref_slice %arg14[%add3A_27, %dma_start3A_65] : memref<10000x80xf32, #tpu.memory_space<vmem_shared>> -> memref<125x80xf32, #tpu.memory_space<vmem_shared>>
      tpu.enqueue_dma source(%arg13 : memref<125x80xf32, #tpu.memory_space<vmem>>) target(%dma_start3A_66 : memref<125x80xf32, #tpu.memory_space<vmem_shared>>) target_semaphore(%run_scoped3A : memref<!tpu.dma_semaphore, #tpu.memory_space<semaphore_mem>>)
      %dma_wait3A_67 = arith.constant 0 : i32
      %dma_wait3A_68 = tpu.memref_slice %arg14[%add3A_27, %dma_wait3A_67] : memref<10000x80xf32, #tpu.memory_space<vmem_shared>> -> memref<125x80xf32, #tpu.memory_space<vmem_shared>>
      %dma_wait3A_69 = arith.constant 0 : i32
      %dma_wait3A_70 = tpu.memref_slice %arg14[%add3A_27, %dma_wait3A_69] : memref<10000x80xf32, #tpu.memory_space<vmem_shared>> -> memref<125x80xf32, #tpu.memory_space<vmem_shared>>
      tpu.wait_dma2 semaphore(%run_scoped3A : memref<!tpu.dma_semaphore, #tpu.memory_space<semaphore_mem>>) src(%arg13 : memref<125x80xf32, #tpu.memory_space<vmem>>) dst(%dma_wait3A_70 : memref<125x80xf32, #tpu.memory_space<vmem_shared>>)
      tpu.yield
    }) : () -> ()
    %barrier3A = arith.constant 0 : index
    tpu.barrier barrier_id(%barrier3A)
    %dma_start3A = arith.constant 0 : i32
    %dma_start3A_28 = tpu.memref_slice %arg2[%mul3A_2, %dma_start3A] : memref<327680x80xf32, #tpu.memory_space<hbm>> -> memref<128x80xf32, #tpu.memory_space<hbm>>
    %dma_start3A_29 = arith.constant 0 : i32
    %dma_start3A_30 = tpu.memref_slice %arg2[%mul3A_2, %dma_start3A_29] : memref<327680x80xf32, #tpu.memory_space<hbm>> -> memref<128x80xf32, #tpu.memory_space<hbm>>
    tpu.enqueue_dma source(%dma_start3A_30 : memref<128x80xf32, #tpu.memory_space<hbm>>) target(%arg9 : memref<128x80xf32, #tpu.memory_space<vmem>>) target_semaphore(%arg15 : memref<!tpu.dma_semaphore, #tpu.memory_space<semaphore_mem>>)
    %dma_start3A_31 = tpu.memref_slice %arg3[%mul3A_2] : memref<327680xi32, #tpu.memory_space<hbm>> -> memref<128xi32, #tpu.memory_space<hbm>>
    %dma_start3A_32 = tpu.memref_slice %arg3[%mul3A_2] : memref<327680xi32, #tpu.memory_space<hbm>> -> memref<128xi32, #tpu.memory_space<hbm>>
    tpu.enqueue_dma source(%dma_start3A_32 : memref<128xi32, #tpu.memory_space<hbm>>) target(%arg5 : memref<128xi32, #tpu.memory_space<vmem>>) target_semaphore(%arg15 : memref<!tpu.dma_semaphore, #tpu.memory_space<semaphore_mem>>)
    %add3A_33 = arith.constant 128 : i32
    %add3A_34 = arith.addi %mul3A_2, %add3A_33 : i32
    %dma_start3A_35 = arith.constant 0 : i32
    %dma_start3A_36 = tpu.memref_slice %arg2[%add3A_34, %dma_start3A_35] : memref<327680x80xf32, #tpu.memory_space<hbm>> -> memref<128x80xf32, #tpu.memory_space<hbm>>
    %dma_start3A_37 = arith.constant 0 : i32
    %dma_start3A_38 = tpu.memref_slice %arg2[%add3A_34, %dma_start3A_37] : memref<327680x80xf32, #tpu.memory_space<hbm>> -> memref<128x80xf32, #tpu.memory_space<hbm>>
    tpu.enqueue_dma source(%dma_start3A_38 : memref<128x80xf32, #tpu.memory_space<hbm>>) target(%arg10 : memref<128x80xf32, #tpu.memory_space<vmem>>) target_semaphore(%arg16 : memref<!tpu.dma_semaphore, #tpu.memory_space<semaphore_mem>>)
    %dma_start3A_39 = tpu.memref_slice %arg3[%add3A_34] : memref<327680xi32, #tpu.memory_space<hbm>> -> memref<128xi32, #tpu.memory_space<hbm>>
    %dma_start3A_40 = tpu.memref_slice %arg3[%add3A_34] : memref<327680xi32, #tpu.memory_space<hbm>> -> memref<128xi32, #tpu.memory_space<hbm>>
    tpu.enqueue_dma source(%dma_start3A_40 : memref<128xi32, #tpu.memory_space<hbm>>) target(%arg6 : memref<128xi32, #tpu.memory_space<vmem>>) target_semaphore(%arg16 : memref<!tpu.dma_semaphore, #tpu.memory_space<semaphore_mem>>)
    %scan3A_41 = arith.constant 0 : i32
    %scan3A_42 = arith.constant 0 : i32
    %scan3A_43 = arith.constant 20 : i32
    %scan3A_44 = arith.addi %scan3A_42, %scan3A_43 : i32
    %scan3A_45 = arith.constant 1 : i32
    scf.for %scan3A_63 = %scan3A_42 to %scan3A_44 step %scan3A_45  : i32 {
      %mul3A_64 = arith.constant 4 : i32
      %mul3A_65 = arith.muli %mul3A_64, %scan3A_63 : i32
      %add3A_66 = arith.constant 0 : i32
      %add3A_67 = arith.addi %mul3A_65, %add3A_66 : i32
      %mul3A_68 = arith.constant 128 : i32
      %mul3A_69 = arith.muli %add3A_67, %mul3A_68 : i32
      %add3A_70 = arith.addi %mul3A_2, %mul3A_69 : i32
      %dma_wait3A_71 = arith.constant 0 : i32
      %dma_wait3A_72 = tpu.memref_slice %arg2[%add3A_70, %dma_wait3A_71] : memref<327680x80xf32, #tpu.memory_space<hbm>> -> memref<128x80xf32, #tpu.memory_space<hbm>>
      %dma_wait3A_73 = arith.constant 0 : i32
      %dma_wait3A_74 = tpu.memref_slice %arg2[%add3A_70, %dma_wait3A_73] : memref<327680x80xf32, #tpu.memory_space<hbm>> -> memref<128x80xf32, #tpu.memory_space<hbm>>
      tpu.wait_dma2 semaphore(%arg15 : memref<!tpu.dma_semaphore, #tpu.memory_space<semaphore_mem>>) src(%dma_wait3A_74 : memref<128x80xf32, #tpu.memory_space<hbm>>) dst(%arg9 : memref<128x80xf32, #tpu.memory_space<vmem>>)
      %dma_wait3A_75 = tpu.memref_slice %arg3[%add3A_70] : memref<327680xi32, #tpu.memory_space<hbm>> -> memref<128xi32, #tpu.memory_space<hbm>>
      %dma_wait3A_76 = tpu.memref_slice %arg3[%add3A_70] : memref<327680xi32, #tpu.memory_space<hbm>> -> memref<128xi32, #tpu.memory_space<hbm>>
      tpu.wait_dma2 semaphore(%arg15 : memref<!tpu.dma_semaphore, #tpu.memory_space<semaphore_mem>>) src(%dma_wait3A_76 : memref<128xi32, #tpu.memory_space<hbm>>) dst(%arg5 : memref<128xi32, #tpu.memory_space<vmem>>)
      %dma_start3A_77 = arith.constant 0 : i32
      %dma_start3A_78 = arith.constant 0 : i32
      %dma_start3A_79 = tpu.memref_slice %arg14[%dma_start3A_77, %dma_start3A_78] : memref<10000x80xf32, #tpu.memory_space<vmem_shared>> -> memref<10000x80xf32, #tpu.memory_space<vmem_shared>>
      tpu.enqueue_indirect_dma source(%arg9 : memref<128x80xf32, #tpu.memory_space<vmem>>) target(%dma_start3A_79 : memref<10000x80xf32, #tpu.memory_space<vmem_shared>>) offsets(%arg5 : memref<128xi32, #tpu.memory_space<vmem>>) semaphore(%arg19 : memref<!tpu.dma_semaphore, #tpu.memory_space<semaphore_mem>>) {add = true}
      %add3A_80 = arith.constant 2 : i32
      %add3A_81 = arith.addi %add3A_67, %add3A_80 : i32
      %lt3A = arith.constant 80 : i32
      %lt3A_82 = arith.cmpi slt, %add3A_81, %lt3A : i32
      %convert_element_type3A = arith.extui %lt3A_82 : i1 to i32
      %cond3A = arith.constant 0 : i32
      %cond3A_83 = arith.cmpi ne, %convert_element_type3A, %cond3A : i32
      scf.if %cond3A_83 {
        %ge3A = arith.constant 2 : i32
        %ge3A_153 = arith.cmpi sge, %add3A_67, %ge3A : i32
        %convert_element_type3A_154 = arith.extui %ge3A_153 : i1 to i32
        %cond3A_155 = arith.constant 0 : i32
        %cond3A_156 = arith.cmpi ne, %convert_element_type3A_154, %cond3A_155 : i32
        scf.if %cond3A_156 {
          %dma_wait3A_165 = arith.constant 0 : i32
          %dma_wait3A_166 = arith.constant 0 : i32
          %dma_wait3A_167 = tpu.memref_slice %arg14[%dma_wait3A_165, %dma_wait3A_166] : memref<10000x80xf32, #tpu.memory_space<vmem_shared>> -> memref<10000x80xf32, #tpu.memory_space<vmem_shared>>
          tpu.wait_indirect_dma semaphore(%arg21 : memref<!tpu.dma_semaphore, #tpu.memory_space<semaphore_mem>>) src(%arg11 : memref<128x80xf32, #tpu.memory_space<vmem>>) dst(%dma_wait3A_167 : memref<10000x80xf32, #tpu.memory_space<vmem_shared>>)
        } else {
        }
        %add3A_157 = arith.constant 256 : i32
        %add3A_158 = arith.addi %add3A_70, %add3A_157 : i32
        %dma_start3A_159 = arith.constant 0 : i32
        %dma_start3A_160 = tpu.memref_slice %arg2[%add3A_158, %dma_start3A_159] : memref<327680x80xf32, #tpu.memory_space<hbm>> -> memref<128x80xf32, #tpu.memory_space<hbm>>
        %dma_start3A_161 = arith.constant 0 : i32
        %dma_start3A_162 = tpu.memref_slice %arg2[%add3A_158, %dma_start3A_161] : memref<327680x80xf32, #tpu.memory_space<hbm>> -> memref<128x80xf32, #tpu.memory_space<hbm>>
        tpu.enqueue_dma source(%dma_start3A_162 : memref<128x80xf32, #tpu.memory_space<hbm>>) target(%arg11 : memref<128x80xf32, #tpu.memory_space<vmem>>) target_semaphore(%arg17 : memref<!tpu.dma_semaphore, #tpu.memory_space<semaphore_mem>>)
        %dma_start3A_163 = tpu.memref_slice %arg3[%add3A_158] : memref<327680xi32, #tpu.memory_space<hbm>> -> memref<128xi32, #tpu.memory_space<hbm>>
        %dma_start3A_164 = tpu.memref_slice %arg3[%add3A_158] : memref<327680xi32, #tpu.memory_space<hbm>> -> memref<128xi32, #tpu.memory_space<hbm>>
        tpu.enqueue_dma source(%dma_start3A_164 : memref<128xi32, #tpu.memory_space<hbm>>) target(%arg7 : memref<128xi32, #tpu.memory_space<vmem>>) target_semaphore(%arg17 : memref<!tpu.dma_semaphore, #tpu.memory_space<semaphore_mem>>)
      } else {
      }
      %mul3A_84 = arith.constant 4 : i32
      %mul3A_85 = arith.muli %mul3A_84, %scan3A_63 : i32
      %add3A_86 = arith.constant 1 : i32
      %add3A_87 = arith.addi %mul3A_85, %add3A_86 : i32
      %mul3A_88 = arith.constant 128 : i32
      %mul3A_89 = arith.muli %add3A_87, %mul3A_88 : i32
      %add3A_90 = arith.addi %mul3A_2, %mul3A_89 : i32
      %dma_wait3A_91 = arith.constant 0 : i32
      %dma_wait3A_92 = tpu.memref_slice %arg2[%add3A_90, %dma_wait3A_91] : memref<327680x80xf32, #tpu.memory_space<hbm>> -> memref<128x80xf32, #tpu.memory_space<hbm>>
      %dma_wait3A_93 = arith.constant 0 : i32
      %dma_wait3A_94 = tpu.memref_slice %arg2[%add3A_90, %dma_wait3A_93] : memref<327680x80xf32, #tpu.memory_space<hbm>> -> memref<128x80xf32, #tpu.memory_space<hbm>>
      tpu.wait_dma2 semaphore(%arg16 : memref<!tpu.dma_semaphore, #tpu.memory_space<semaphore_mem>>) src(%dma_wait3A_94 : memref<128x80xf32, #tpu.memory_space<hbm>>) dst(%arg10 : memref<128x80xf32, #tpu.memory_space<vmem>>)
      %dma_wait3A_95 = tpu.memref_slice %arg3[%add3A_90] : memref<327680xi32, #tpu.memory_space<hbm>> -> memref<128xi32, #tpu.memory_space<hbm>>
      %dma_wait3A_96 = tpu.memref_slice %arg3[%add3A_90] : memref<327680xi32, #tpu.memory_space<hbm>> -> memref<128xi32, #tpu.memory_space<hbm>>
      tpu.wait_dma2 semaphore(%arg16 : memref<!tpu.dma_semaphore, #tpu.memory_space<semaphore_mem>>) src(%dma_wait3A_96 : memref<128xi32, #tpu.memory_space<hbm>>) dst(%arg6 : memref<128xi32, #tpu.memory_space<vmem>>)
      %dma_start3A_97 = arith.constant 0 : i32
      %dma_start3A_98 = arith.constant 0 : i32
      %dma_start3A_99 = tpu.memref_slice %arg14[%dma_start3A_97, %dma_start3A_98] : memref<10000x80xf32, #tpu.memory_space<vmem_shared>> -> memref<10000x80xf32, #tpu.memory_space<vmem_shared>>
      tpu.enqueue_indirect_dma source(%arg10 : memref<128x80xf32, #tpu.memory_space<vmem>>) target(%dma_start3A_99 : memref<10000x80xf32, #tpu.memory_space<vmem_shared>>) offsets(%arg6 : memref<128xi32, #tpu.memory_space<vmem>>) semaphore(%arg20 : memref<!tpu.dma_semaphore, #tpu.memory_space<semaphore_mem>>) {add = true}
      %add3A_100 = arith.constant 2 : i32
      %add3A_101 = arith.addi %add3A_87, %add3A_100 : i32
      %lt3A_102 = arith.constant 80 : i32
      %lt3A_103 = arith.cmpi slt, %add3A_101, %lt3A_102 : i32
      %convert_element_type3A_104 = arith.extui %lt3A_103 : i1 to i32
      %cond3A_105 = arith.constant 0 : i32
      %cond3A_106 = arith.cmpi ne, %convert_element_type3A_104, %cond3A_105 : i32
      scf.if %cond3A_106 {
        %ge3A = arith.constant 2 : i32
        %ge3A_153 = arith.cmpi sge, %add3A_87, %ge3A : i32
        %convert_element_type3A_154 = arith.extui %ge3A_153 : i1 to i32
        %cond3A_155 = arith.constant 0 : i32
        %cond3A_156 = arith.cmpi ne, %convert_element_type3A_154, %cond3A_155 : i32
        scf.if %cond3A_156 {
          %dma_wait3A_165 = arith.constant 0 : i32
          %dma_wait3A_166 = arith.constant 0 : i32
          %dma_wait3A_167 = tpu.memref_slice %arg14[%dma_wait3A_165, %dma_wait3A_166] : memref<10000x80xf32, #tpu.memory_space<vmem_shared>> -> memref<10000x80xf32, #tpu.memory_space<vmem_shared>>
          tpu.wait_indirect_dma semaphore(%arg22 : memref<!tpu.dma_semaphore, #tpu.memory_space<semaphore_mem>>) src(%arg12 : memref<128x80xf32, #tpu.memory_space<vmem>>) dst(%dma_wait3A_167 : memref<10000x80xf32, #tpu.memory_space<vmem_shared>>)
        } else {
        }
        %add3A_157 = arith.constant 256 : i32
        %add3A_158 = arith.addi %add3A_90, %add3A_157 : i32
        %dma_start3A_159 = arith.constant 0 : i32
        %dma_start3A_160 = tpu.memref_slice %arg2[%add3A_158, %dma_start3A_159] : memref<327680x80xf32, #tpu.memory_space<hbm>> -> memref<128x80xf32, #tpu.memory_space<hbm>>
        %dma_start3A_161 = arith.constant 0 : i32
        %dma_start3A_162 = tpu.memref_slice %arg2[%add3A_158, %dma_start3A_161] : memref<327680x80xf32, #tpu.memory_space<hbm>> -> memref<128x80xf32, #tpu.memory_space<hbm>>
        tpu.enqueue_dma source(%dma_start3A_162 : memref<128x80xf32, #tpu.memory_space<hbm>>) target(%arg12 : memref<128x80xf32, #tpu.memory_space<vmem>>) target_semaphore(%arg18 : memref<!tpu.dma_semaphore, #tpu.memory_space<semaphore_mem>>)
        %dma_start3A_163 = tpu.memref_slice %arg3[%add3A_158] : memref<327680xi32, #tpu.memory_space<hbm>> -> memref<128xi32, #tpu.memory_space<hbm>>
        %dma_start3A_164 = tpu.memref_slice %arg3[%add3A_158] : memref<327680xi32, #tpu.memory_space<hbm>> -> memref<128xi32, #tpu.memory_space<hbm>>
        tpu.enqueue_dma source(%dma_start3A_164 : memref<128xi32, #tpu.memory_space<hbm>>) target(%arg8 : memref<128xi32, #tpu.memory_space<vmem>>) target_semaphore(%arg18 : memref<!tpu.dma_semaphore, #tpu.memory_space<semaphore_mem>>)
      } else {
      }
      %mul3A_107 = arith.constant 4 : i32
      %mul3A_108 = arith.muli %mul3A_107, %scan3A_63 : i32
      %add3A_109 = arith.constant 2 : i32
      %add3A_110 = arith.addi %mul3A_108, %add3A_109 : i32
      %mul3A_111 = arith.constant 128 : i32
      %mul3A_112 = arith.muli %add3A_110, %mul3A_111 : i32
      %add3A_113 = arith.addi %mul3A_2, %mul3A_112 : i32
      %dma_wait3A_114 = arith.constant 0 : i32
      %dma_wait3A_115 = tpu.memref_slice %arg2[%add3A_113, %dma_wait3A_114] : memref<327680x80xf32, #tpu.memory_space<hbm>> -> memref<128x80xf32, #tpu.memory_space<hbm>>
      %dma_wait3A_116 = arith.constant 0 : i32
      %dma_wait3A_117 = tpu.memref_slice %arg2[%add3A_113, %dma_wait3A_116] : memref<327680x80xf32, #tpu.memory_space<hbm>> -> memref<128x80xf32, #tpu.memory_space<hbm>>
      tpu.wait_dma2 semaphore(%arg17 : memref<!tpu.dma_semaphore, #tpu.memory_space<semaphore_mem>>) src(%dma_wait3A_117 : memref<128x80xf32, #tpu.memory_space<hbm>>) dst(%arg11 : memref<128x80xf32, #tpu.memory_space<vmem>>)
      %dma_wait3A_118 = tpu.memref_slice %arg3[%add3A_113] : memref<327680xi32, #tpu.memory_space<hbm>> -> memref<128xi32, #tpu.memory_space<hbm>>
      %dma_wait3A_119 = tpu.memref_slice %arg3[%add3A_113] : memref<327680xi32, #tpu.memory_space<hbm>> -> memref<128xi32, #tpu.memory_space<hbm>>
      tpu.wait_dma2 semaphore(%arg17 : memref<!tpu.dma_semaphore, #tpu.memory_space<semaphore_mem>>) src(%dma_wait3A_119 : memref<128xi32, #tpu.memory_space<hbm>>) dst(%arg7 : memref<128xi32, #tpu.memory_space<vmem>>)
      %dma_start3A_120 = arith.constant 0 : i32
      %dma_start3A_121 = arith.constant 0 : i32
      %dma_start3A_122 = tpu.memref_slice %arg14[%dma_start3A_120, %dma_start3A_121] : memref<10000x80xf32, #tpu.memory_space<vmem_shared>> -> memref<10000x80xf32, #tpu.memory_space<vmem_shared>>
      tpu.enqueue_indirect_dma source(%arg11 : memref<128x80xf32, #tpu.memory_space<vmem>>) target(%dma_start3A_122 : memref<10000x80xf32, #tpu.memory_space<vmem_shared>>) offsets(%arg7 : memref<128xi32, #tpu.memory_space<vmem>>) semaphore(%arg21 : memref<!tpu.dma_semaphore, #tpu.memory_space<semaphore_mem>>) {add = true}
      %add3A_123 = arith.constant 2 : i32
      %add3A_124 = arith.addi %add3A_110, %add3A_123 : i32
      %lt3A_125 = arith.constant 80 : i32
      %lt3A_126 = arith.cmpi slt, %add3A_124, %lt3A_125 : i32
      %convert_element_type3A_127 = arith.extui %lt3A_126 : i1 to i32
      %cond3A_128 = arith.constant 0 : i32
      %cond3A_129 = arith.cmpi ne, %convert_element_type3A_127, %cond3A_128 : i32
      scf.if %cond3A_129 {
        %ge3A = arith.constant 2 : i32
        %ge3A_153 = arith.cmpi sge, %add3A_110, %ge3A : i32
        %convert_element_type3A_154 = arith.extui %ge3A_153 : i1 to i32
        %cond3A_155 = arith.constant 0 : i32
        %cond3A_156 = arith.cmpi ne, %convert_element_type3A_154, %cond3A_155 : i32
        scf.if %cond3A_156 {
          %dma_wait3A_165 = arith.constant 0 : i32
          %dma_wait3A_166 = arith.constant 0 : i32
          %dma_wait3A_167 = tpu.memref_slice %arg14[%dma_wait3A_165, %dma_wait3A_166] : memref<10000x80xf32, #tpu.memory_space<vmem_shared>> -> memref<10000x80xf32, #tpu.memory_space<vmem_shared>>
          tpu.wait_indirect_dma semaphore(%arg19 : memref<!tpu.dma_semaphore, #tpu.memory_space<semaphore_mem>>) src(%arg9 : memref<128x80xf32, #tpu.memory_space<vmem>>) dst(%dma_wait3A_167 : memref<10000x80xf32, #tpu.memory_space<vmem_shared>>)
        } else {
        }
        %add3A_157 = arith.constant 256 : i32
        %add3A_158 = arith.addi %add3A_113, %add3A_157 : i32
        %dma_start3A_159 = arith.constant 0 : i32
        %dma_start3A_160 = tpu.memref_slice %arg2[%add3A_158, %dma_start3A_159] : memref<327680x80xf32, #tpu.memory_space<hbm>> -> memref<128x80xf32, #tpu.memory_space<hbm>>
        %dma_start3A_161 = arith.constant 0 : i32
        %dma_start3A_162 = tpu.memref_slice %arg2[%add3A_158, %dma_start3A_161] : memref<327680x80xf32, #tpu.memory_space<hbm>> -> memref<128x80xf32, #tpu.memory_space<hbm>>
        tpu.enqueue_dma source(%dma_start3A_162 : memref<128x80xf32, #tpu.memory_space<hbm>>) target(%arg9 : memref<128x80xf32, #tpu.memory_space<vmem>>) target_semaphore(%arg15 : memref<!tpu.dma_semaphore, #tpu.memory_space<semaphore_mem>>)
        %dma_start3A_163 = tpu.memref_slice %arg3[%add3A_158] : memref<327680xi32, #tpu.memory_space<hbm>> -> memref<128xi32, #tpu.memory_space<hbm>>
        %dma_start3A_164 = tpu.memref_slice %arg3[%add3A_158] : memref<327680xi32, #tpu.memory_space<hbm>> -> memref<128xi32, #tpu.memory_space<hbm>>
        tpu.enqueue_dma source(%dma_start3A_164 : memref<128xi32, #tpu.memory_space<hbm>>) target(%arg5 : memref<128xi32, #tpu.memory_space<vmem>>) target_semaphore(%arg15 : memref<!tpu.dma_semaphore, #tpu.memory_space<semaphore_mem>>)
      } else {
      }
      %mul3A_130 = arith.constant 4 : i32
      %mul3A_131 = arith.muli %mul3A_130, %scan3A_63 : i32
      %add3A_132 = arith.constant 3 : i32
      %add3A_133 = arith.addi %mul3A_131, %add3A_132 : i32
      %mul3A_134 = arith.constant 128 : i32
      %mul3A_135 = arith.muli %add3A_133, %mul3A_134 : i32
      %add3A_136 = arith.addi %mul3A_2, %mul3A_135 : i32
      %dma_wait3A_137 = arith.constant 0 : i32
      %dma_wait3A_138 = tpu.memref_slice %arg2[%add3A_136, %dma_wait3A_137] : memref<327680x80xf32, #tpu.memory_space<hbm>> -> memref<128x80xf32, #tpu.memory_space<hbm>>
      %dma_wait3A_139 = arith.constant 0 : i32
      %dma_wait3A_140 = tpu.memref_slice %arg2[%add3A_136, %dma_wait3A_139] : memref<327680x80xf32, #tpu.memory_space<hbm>> -> memref<128x80xf32, #tpu.memory_space<hbm>>
      tpu.wait_dma2 semaphore(%arg18 : memref<!tpu.dma_semaphore, #tpu.memory_space<semaphore_mem>>) src(%dma_wait3A_140 : memref<128x80xf32, #tpu.memory_space<hbm>>) dst(%arg12 : memref<128x80xf32, #tpu.memory_space<vmem>>)
      %dma_wait3A_141 = tpu.memref_slice %arg3[%add3A_136] : memref<327680xi32, #tpu.memory_space<hbm>> -> memref<128xi32, #tpu.memory_space<hbm>>
      %dma_wait3A_142 = tpu.memref_slice %arg3[%add3A_136] : memref<327680xi32, #tpu.memory_space<hbm>> -> memref<128xi32, #tpu.memory_space<hbm>>
      tpu.wait_dma2 semaphore(%arg18 : memref<!tpu.dma_semaphore, #tpu.memory_space<semaphore_mem>>) src(%dma_wait3A_142 : memref<128xi32, #tpu.memory_space<hbm>>) dst(%arg8 : memref<128xi32, #tpu.memory_space<vmem>>)
      %dma_start3A_143 = arith.constant 0 : i32
      %dma_start3A_144 = arith.constant 0 : i32
      %dma_start3A_145 = tpu.memref_slice %arg14[%dma_start3A_143, %dma_start3A_144] : memref<10000x80xf32, #tpu.memory_space<vmem_shared>> -> memref<10000x80xf32, #tpu.memory_space<vmem_shared>>
      tpu.enqueue_indirect_dma source(%arg12 : memref<128x80xf32, #tpu.memory_space<vmem>>) target(%dma_start3A_145 : memref<10000x80xf32, #tpu.memory_space<vmem_shared>>) offsets(%arg8 : memref<128xi32, #tpu.memory_space<vmem>>) semaphore(%arg22 : memref<!tpu.dma_semaphore, #tpu.memory_space<semaphore_mem>>) {add = true}
      %add3A_146 = arith.constant 2 : i32
      %add3A_147 = arith.addi %add3A_133, %add3A_146 : i32
      %lt3A_148 = arith.constant 80 : i32
      %lt3A_149 = arith.cmpi slt, %add3A_147, %lt3A_148 : i32
      %convert_element_type3A_150 = arith.extui %lt3A_149 : i1 to i32
      %cond3A_151 = arith.constant 0 : i32
      %cond3A_152 = arith.cmpi ne, %convert_element_type3A_150, %cond3A_151 : i32
      scf.if %cond3A_152 {
        %ge3A = arith.constant 2 : i32
        %ge3A_153 = arith.cmpi sge, %add3A_133, %ge3A : i32
        %convert_element_type3A_154 = arith.extui %ge3A_153 : i1 to i32
        %cond3A_155 = arith.constant 0 : i32
        %cond3A_156 = arith.cmpi ne, %convert_element_type3A_154, %cond3A_155 : i32
        scf.if %cond3A_156 {
          %dma_wait3A_165 = arith.constant 0 : i32
          %dma_wait3A_166 = arith.constant 0 : i32
          %dma_wait3A_167 = tpu.memref_slice %arg14[%dma_wait3A_165, %dma_wait3A_166] : memref<10000x80xf32, #tpu.memory_space<vmem_shared>> -> memref<10000x80xf32, #tpu.memory_space<vmem_shared>>
          tpu.wait_indirect_dma semaphore(%arg20 : memref<!tpu.dma_semaphore, #tpu.memory_space<semaphore_mem>>) src(%arg10 : memref<128x80xf32, #tpu.memory_space<vmem>>) dst(%dma_wait3A_167 : memref<10000x80xf32, #tpu.memory_space<vmem_shared>>)
        } else {
        }
        %add3A_157 = arith.constant 256 : i32
        %add3A_158 = arith.addi %add3A_136, %add3A_157 : i32
        %dma_start3A_159 = arith.constant 0 : i32
        %dma_start3A_160 = tpu.memref_slice %arg2[%add3A_158, %dma_start3A_159] : memref<327680x80xf32, #tpu.memory_space<hbm>> -> memref<128x80xf32, #tpu.memory_space<hbm>>
        %dma_start3A_161 = arith.constant 0 : i32
        %dma_start3A_162 = tpu.memref_slice %arg2[%add3A_158, %dma_start3A_161] : memref<327680x80xf32, #tpu.memory_space<hbm>> -> memref<128x80xf32, #tpu.memory_space<hbm>>
        tpu.enqueue_dma source(%dma_start3A_162 : memref<128x80xf32, #tpu.memory_space<hbm>>) target(%arg10 : memref<128x80xf32, #tpu.memory_space<vmem>>) target_semaphore(%arg16 : memref<!tpu.dma_semaphore, #tpu.memory_space<semaphore_mem>>)
        %dma_start3A_163 = tpu.memref_slice %arg3[%add3A_158] : memref<327680xi32, #tpu.memory_space<hbm>> -> memref<128xi32, #tpu.memory_space<hbm>>
        %dma_start3A_164 = tpu.memref_slice %arg3[%add3A_158] : memref<327680xi32, #tpu.memory_space<hbm>> -> memref<128xi32, #tpu.memory_space<hbm>>
        tpu.enqueue_dma source(%dma_start3A_164 : memref<128xi32, #tpu.memory_space<hbm>>) target(%arg6 : memref<128xi32, #tpu.memory_space<vmem>>) target_semaphore(%arg16 : memref<!tpu.dma_semaphore, #tpu.memory_space<semaphore_mem>>)
      } else {
      }
    }
    %scan3A_46 = arith.constant 20 : i32
    %dma_wait3A = arith.constant 0 : i32
    %dma_wait3A_47 = arith.constant 0 : i32
    %dma_wait3A_48 = tpu.memref_slice %arg14[%dma_wait3A, %dma_wait3A_47] : memref<10000x80xf32, #tpu.memory_space<vmem_shared>> -> memref<10000x80xf32, #tpu.memory_space<vmem_shared>>
    tpu.wait_indirect_dma semaphore(%arg19 : memref<!tpu.dma_semaphore, #tpu.memory_space<semaphore_mem>>) src(%arg9 : memref<128x80xf32, #tpu.memory_space<vmem>>) dst(%dma_wait3A_48 : memref<10000x80xf32, #tpu.memory_space<vmem_shared>>)
    %dma_wait3A_49 = arith.constant 0 : i32
    %dma_wait3A_50 = arith.constant 0 : i32
    %dma_wait3A_51 = tpu.memref_slice %arg14[%dma_wait3A_49, %dma_wait3A_50] : memref<10000x80xf32, #tpu.memory_space<vmem_shared>> -> memref<10000x80xf32, #tpu.memory_space<vmem_shared>>
    tpu.wait_indirect_dma semaphore(%arg20 : memref<!tpu.dma_semaphore, #tpu.memory_space<semaphore_mem>>) src(%arg10 : memref<128x80xf32, #tpu.memory_space<vmem>>) dst(%dma_wait3A_51 : memref<10000x80xf32, #tpu.memory_space<vmem_shared>>)
    %dma_wait3A_52 = arith.constant 0 : i32
    %dma_wait3A_53 = arith.constant 0 : i32
    %dma_wait3A_54 = tpu.memref_slice %arg14[%dma_wait3A_52, %dma_wait3A_53] : memref<10000x80xf32, #tpu.memory_space<vmem_shared>> -> memref<10000x80xf32, #tpu.memory_space<vmem_shared>>
    tpu.wait_indirect_dma semaphore(%arg21 : memref<!tpu.dma_semaphore, #tpu.memory_space<semaphore_mem>>) src(%arg11 : memref<128x80xf32, #tpu.memory_space<vmem>>) dst(%dma_wait3A_54 : memref<10000x80xf32, #tpu.memory_space<vmem_shared>>)
    %dma_wait3A_55 = arith.constant 0 : i32
    %dma_wait3A_56 = arith.constant 0 : i32
    %dma_wait3A_57 = tpu.memref_slice %arg14[%dma_wait3A_55, %dma_wait3A_56] : memref<10000x80xf32, #tpu.memory_space<vmem_shared>> -> memref<10000x80xf32, #tpu.memory_space<vmem_shared>>
    tpu.wait_indirect_dma semaphore(%arg22 : memref<!tpu.dma_semaphore, #tpu.memory_space<semaphore_mem>>) src(%arg12 : memref<128x80xf32, #tpu.memory_space<vmem>>) dst(%dma_wait3A_57 : memref<10000x80xf32, #tpu.memory_space<vmem_shared>>)
    %barrier3A_58 = arith.constant 0 : index
    tpu.barrier barrier_id(%barrier3A_58)
    %mul3A_59 = arith.constant 625 : i32
    %mul3A_60 = arith.muli %arg1, %mul3A_59 : i32
    %mul3A_61 = arith.constant 625 : i32
    %mul3A_62 = arith.muli %arg1, %mul3A_61 : i32
    "tpu.region"() ({
      %run_scoped3A = tpu.sem_alloc : memref<!tpu.dma_semaphore, #tpu.memory_space<semaphore_mem>>
      %dma_start3A_63 = arith.constant 0 : i32
      %dma_start3A_64 = tpu.memref_slice %arg4[%arg0, %mul3A_62, %dma_start3A_63] : memref<2x10000x80xf32, #tpu.memory_space<hbm>> -> memref<1x625x80xf32, #tpu.memory_space<hbm>>
      %dma_start3A_65 = tpu.memref_squeeze %dma_start3A_64 : memref<1x625x80xf32, #tpu.memory_space<hbm>> -> memref<625x80xf32, #tpu.memory_space<hbm>>
      %dma_start3A_66 = arith.constant 0 : i32
      %dma_start3A_67 = tpu.memref_slice %arg14[%mul3A_60, %dma_start3A_66] : memref<10000x80xf32, #tpu.memory_space<vmem_shared>> -> memref<625x80xf32, #tpu.memory_space<vmem_shared>>
      tpu.enqueue_dma source(%dma_start3A_67 : memref<625x80xf32, #tpu.memory_space<vmem_shared>>) target(%dma_start3A_65 : memref<625x80xf32, #tpu.memory_space<hbm>>) target_semaphore(%run_scoped3A : memref<!tpu.dma_semaphore, #tpu.memory_space<semaphore_mem>>)
      %dma_wait3A_68 = arith.constant 0 : i32
      %dma_wait3A_69 = tpu.memref_slice %arg4[%arg0, %mul3A_62, %dma_wait3A_68] : memref<2x10000x80xf32, #tpu.memory_space<hbm>> -> memref<1x625x80xf32, #tpu.memory_space<hbm>>
      %dma_wait3A_70 = tpu.memref_squeeze %dma_wait3A_69 : memref<1x625x80xf32, #tpu.memory_space<hbm>> -> memref<625x80xf32, #tpu.memory_space<hbm>>
      %dma_wait3A_71 = arith.constant 0 : i32
      %dma_wait3A_72 = tpu.memref_slice %arg14[%mul3A_60, %dma_wait3A_71] : memref<10000x80xf32, #tpu.memory_space<vmem_shared>> -> memref<625x80xf32, #tpu.memory_space<vmem_shared>>
      tpu.wait_dma2 semaphore(%run_scoped3A : memref<!tpu.dma_semaphore, #tpu.memory_space<semaphore_mem>>) src(%dma_wait3A_72 : memref<625x80xf32, #tpu.memory_space<vmem_shared>>) dst(%dma_wait3A_70 : memref<625x80xf32, #tpu.memory_space<hbm>>)
      tpu.yield
    }) : () -> ()
    return
  }
}

module attributes {stable_mosaic.version = 14 : i64} {
  func.func @_node_pre_body(%arg0: i32, %arg1: memref<1000x128xf32, #tpu.memory_space<vmem>>, %arg2: memref<64x128xf32, #tpu.memory_space<vmem>>, %arg3: memref<64xf32, #tpu.memory_space<vmem>>, %arg4: memref<64x64xf32, #tpu.memory_space<vmem>>, %arg5: memref<1x64xf32, #tpu.memory_space<vmem>>, %arg6: memref<1000x64xf32, #tpu.memory_space<vmem>>, %arg7: memref<1000x64xf32, #tpu.memory_space<vmem>>, %arg8: memref<1000x1xf32, #tpu.memory_space<vmem>>) attributes {dimension_semantics = [#tpu.dimension_semantics<arbitrary>], iteration_bounds = array<i64: 10>, scalar_prefetch = 0 : i64, scratch_operands = 0 : i64, tpu.core_type = #tpu.core_type<tc>, window_params = [{transform_indices = @transform_0, window_bounds = array<i64: 1000, 128>}, {pipeline_mode = #tpu.pipeline_mode<synchronous>, transform_indices = @transform_1, window_bounds = array<i64: 64, 128>}, {pipeline_mode = #tpu.pipeline_mode<synchronous>, transform_indices = @transform_2, window_bounds = array<i64: 64>}, {pipeline_mode = #tpu.pipeline_mode<synchronous>, transform_indices = @transform_3, window_bounds = array<i64: 64, 64>}, {pipeline_mode = #tpu.pipeline_mode<synchronous>, transform_indices = @transform_4, window_bounds = array<i64: 1, 64>}, {transform_indices = @transform_5, window_bounds = array<i64: 1000, 64>}, {transform_indices = @transform_6, window_bounds = array<i64: 1000, 64>}, {transform_indices = @transform_7, window_bounds = array<i64: 1000, 1>}]} {
    %get3A = arith.constant 0 : index
    %get3A_0 = arith.constant 0 : index
    %get3A_1 = vector.load %arg1[%get3A, %get3A_0] : memref<1000x128xf32, #tpu.memory_space<vmem>>, vector<1000x128xf32>
    %get3A_2 = arith.constant 0 : index
    %get3A_3 = arith.constant 0 : index
    %get3A_4 = vector.load %arg2[%get3A_2, %get3A_3] : memref<64x128xf32, #tpu.memory_space<vmem>>, vector<64x128xf32>
    %dot_general3A = arith.constant dense<0.000000e+00> : vector<1000x64xf32>
    %dot_general3A_5 = tpu.matmul %get3A_1, %get3A_4, %dot_general3A {dimension_numbers = #tpu.dot_dimension_numbers<[1], [1], [0], [0], [0, 0, 1, 0], [], []>, transpose_lhs_hint = false} : vector<1000x128xf32>, vector<64x128xf32>, vector<1000x64xf32> -> vector<1000x64xf32>
    %get3A_6 = arith.constant 0 : index
    %get3A_7 = vector.load %arg3[%get3A_6] : memref<64xf32, #tpu.memory_space<vmem>>, vector<64xf32>
    %broadcast_in_dim3A = vector.shape_cast %get3A_7 : vector<64xf32> to vector<1x64xf32>
    %add3A = vector.broadcast %broadcast_in_dim3A : vector<1x64xf32> to vector<1000x64xf32>
    %add3A_8 = arith.addf %dot_general3A_5, %add3A : vector<1000x64xf32>
    %ge3A = arith.constant 0.000000e+00 : f32
    %ge3A_9 = vector.broadcast %ge3A : f32 to vector<1000x64xf32>
    %ge3A_10 = arith.cmpf oge, %add3A_8, %ge3A_9 : vector<1000x64xf32>
    %mul3A = arith.constant 0.00999999977 : f32
    %mul3A_11 = vector.broadcast %mul3A : f32 to vector<1000x64xf32>
    %mul3A_12 = arith.mulf %mul3A_11, %add3A_8 : vector<1000x64xf32>
    %select_n3A = arith.select %ge3A_10, %add3A_8, %mul3A_12 : vector<1000x64xi1>, vector<1000x64xf32>
    %swap3A = arith.constant 0 : index
    %swap3A_13 = arith.constant 0 : index
    %swap3A_14 = vector.load %arg6[%swap3A, %swap3A_13] : memref<1000x64xf32, #tpu.memory_space<vmem>>, vector<1000x64xf32>
    tpu.vector_store %arg6[%swap3A, %swap3A_13], %select_n3A {strides = array<i32>} : memref<1000x64xf32, #tpu.memory_space<vmem>>, vector<1000x64xf32>,
    %get3A_15 = arith.constant 0 : index
    %get3A_16 = arith.constant 0 : index
    %get3A_17 = vector.load %arg4[%get3A_15, %get3A_16] : memref<64x64xf32, #tpu.memory_space<vmem>>, vector<64x64xf32>
    %dot_general3A_18 = arith.constant dense<0.000000e+00> : vector<1000x64xf32>
    %dot_general3A_19 = tpu.matmul %select_n3A, %get3A_17, %dot_general3A_18 {dimension_numbers = #tpu.dot_dimension_numbers<[1], [1], [0], [0], [0, 0, 1, 0], [], []>, transpose_lhs_hint = false} : vector<1000x64xf32>, vector<64x64xf32>, vector<1000x64xf32> -> vector<1000x64xf32>
    %swap3A_20 = arith.constant 0 : index
    %swap3A_21 = arith.constant 0 : index
    %swap3A_22 = vector.load %arg7[%swap3A_20, %swap3A_21] : memref<1000x64xf32, #tpu.memory_space<vmem>>, vector<1000x64xf32>
    tpu.vector_store %arg7[%swap3A_20, %swap3A_21], %dot_general3A_19 {strides = array<i32>} : memref<1000x64xf32, #tpu.memory_space<vmem>>, vector<1000x64xf32>,
    %get3A_23 = arith.constant 0 : index
    %get3A_24 = arith.constant 0 : index
    %get3A_25 = vector.load %arg5[%get3A_23, %get3A_24] : memref<1x64xf32, #tpu.memory_space<vmem>>, vector<1x64xf32>
    %convert_element_type3A = arith.truncf %select_n3A : vector<1000x64xf32> to vector<1000x64xbf16>
    %convert_element_type3A_26 = arith.extf %convert_element_type3A : vector<1000x64xbf16> to vector<1000x64xf32>
    %convert_element_type3A_27 = arith.truncf %get3A_25 : vector<1x64xf32> to vector<1x64xbf16>
    %convert_element_type3A_28 = arith.extf %convert_element_type3A_27 : vector<1x64xbf16> to vector<1x64xf32>
    %mul3A_29 = vector.broadcast %convert_element_type3A_28 : vector<1x64xf32> to vector<1000x64xf32>
    %mul3A_30 = arith.mulf %convert_element_type3A_26, %mul3A_29 : vector<1000x64xf32>
    %reduce_sum3A = arith.constant dense<0.000000e+00> : vector<1000xf32>
    %reduce_sum3A_31 = vector.multi_reduction <add>, %mul3A_30, %reduce_sum3A [1] : vector<1000x64xf32> to vector<1000xf32>
    %broadcast_in_dim3A_32 = vector.shape_cast %reduce_sum3A_31 : vector<1000xf32> to vector<1000x1xf32>
    %swap3A_33 = arith.constant 0 : index
    %swap3A_34 = arith.constant 0 : index
    %swap3A_35 = vector.load %arg8[%swap3A_33, %swap3A_34] : memref<1000x1xf32, #tpu.memory_space<vmem>>, vector<1000x1xf32>
    tpu.vector_store %arg8[%swap3A_33, %swap3A_34], %broadcast_in_dim3A_32 {strides = array<i32>} : memref<1000x1xf32, #tpu.memory_space<vmem>>, vector<1000x1xf32>,
    return
  }
  func.func @transform_0(%arg0: i32) -> (i32, i32) {
    %c0_i32 = arith.constant 0 : i32
    %c0_i32_0 = arith.constant 0 : i32
    return %arg0, %c0_i32 : i32, i32
  }
  func.func @transform_1(%arg0: i32) -> (i32, i32) {
    %c0_i32 = arith.constant 0 : i32
    %c0_i32_0 = arith.constant 0 : i32
    %c0_i32_1 = arith.constant 0 : i32
    return %c0_i32, %c0_i32_0 : i32, i32
  }
  func.func @transform_2(%arg0: i32) -> i32 {
    %c0_i32 = arith.constant 0 : i32
    %c0_i32_0 = arith.constant 0 : i32
    return %c0_i32 : i32
  }
  func.func @transform_3(%arg0: i32) -> (i32, i32) {
    %c0_i32 = arith.constant 0 : i32
    %c0_i32_0 = arith.constant 0 : i32
    %c0_i32_1 = arith.constant 0 : i32
    return %c0_i32, %c0_i32_0 : i32, i32
  }
  func.func @transform_4(%arg0: i32) -> (i32, i32) {
    %c0_i32 = arith.constant 0 : i32
    %c0_i32_0 = arith.constant 0 : i32
    %c0_i32_1 = arith.constant 0 : i32
    return %c0_i32, %c0_i32_0 : i32, i32
  }
  func.func @transform_5(%arg0: i32) -> (i32, i32) {
    %c0_i32 = arith.constant 0 : i32
    %c0_i32_0 = arith.constant 0 : i32
    return %arg0, %c0_i32 : i32, i32
  }
  func.func @transform_6(%arg0: i32) -> (i32, i32) {
    %c0_i32 = arith.constant 0 : i32
    %c0_i32_0 = arith.constant 0 : i32
    return %arg0, %c0_i32 : i32, i32
  }
  func.func @transform_7(%arg0: i32) -> (i32, i32) {
    %c0_i32 = arith.constant 0 : i32
    %c0_i32_0 = arith.constant 0 : i32
    return %arg0, %c0_i32 : i32, i32
  }
}

module attributes {stable_mosaic.version = 14 : i64} {
  func.func @_edge_body(%arg0: i32, %arg1: memref<2560x64xf32, #tpu.memory_space<vmem>>, %arg2: memref<2560x16xf32, #tpu.memory_space<vmem>>, %arg3: memref<64x16xf32, #tpu.memory_space<vmem>>, %arg4: memref<1x64xf32, #tpu.memory_space<vmem>>, %arg5: memref<64x64xf32, #tpu.memory_space<vmem>>, %arg6: memref<2560x1xf32, #tpu.memory_space<vmem>>, %arg7: memref<2560x80xf32, #tpu.memory_space<vmem>>) attributes {dimension_semantics = [#tpu.dimension_semantics<arbitrary>], iteration_bounds = array<i64: 128>, scalar_prefetch = 0 : i64, scratch_operands = 0 : i64, tpu.core_type = #tpu.core_type<tc>, window_params = [{transform_indices = @transform_0, window_bounds = array<i64: 2560, 64>}, {transform_indices = @transform_1, window_bounds = array<i64: 2560, 16>}, {pipeline_mode = #tpu.pipeline_mode<synchronous>, transform_indices = @transform_2, window_bounds = array<i64: 64, 16>}, {pipeline_mode = #tpu.pipeline_mode<synchronous>, transform_indices = @transform_3, window_bounds = array<i64: 1, 64>}, {pipeline_mode = #tpu.pipeline_mode<synchronous>, transform_indices = @transform_4, window_bounds = array<i64: 64, 64>}, {transform_indices = @transform_5, window_bounds = array<i64: 2560, 1>}, {transform_indices = @transform_6, window_bounds = array<i64: 2560, 80>}]} {
    %get3A = arith.constant 0 : index
    %get3A_0 = arith.constant 0 : index
    %get3A_1 = vector.load %arg1[%get3A, %get3A_0] : memref<2560x64xf32, #tpu.memory_space<vmem>>, vector<2560x64xf32>
    %get3A_2 = arith.constant 0 : index
    %get3A_3 = arith.constant 0 : index
    %get3A_4 = vector.load %arg2[%get3A_2, %get3A_3] : memref<2560x16xf32, #tpu.memory_space<vmem>>, vector<2560x16xf32>
    %get3A_5 = arith.constant 0 : index
    %get3A_6 = arith.constant 0 : index
    %get3A_7 = vector.load %arg3[%get3A_5, %get3A_6] : memref<64x16xf32, #tpu.memory_space<vmem>>, vector<64x16xf32>
    %dot_general3A = arith.constant dense<0.000000e+00> : vector<2560x64xf32>
    %dot_general3A_8 = tpu.matmul %get3A_4, %get3A_7, %dot_general3A {dimension_numbers = #tpu.dot_dimension_numbers<[1], [1], [0], [0], [0, 0, 1, 0], [], []>, transpose_lhs_hint = false} : vector<2560x16xf32>, vector<64x16xf32>, vector<2560x64xf32> -> vector<2560x64xf32>
    %add3A = arith.addf %get3A_1, %dot_general3A_8 : vector<2560x64xf32>
    %ge3A = arith.constant 0.000000e+00 : f32
    %ge3A_9 = vector.broadcast %ge3A : f32 to vector<2560x64xf32>
    %ge3A_10 = arith.cmpf oge, %add3A, %ge3A_9 : vector<2560x64xf32>
    %mul3A = arith.constant 0.00999999977 : f32
    %mul3A_11 = vector.broadcast %mul3A : f32 to vector<2560x64xf32>
    %mul3A_12 = arith.mulf %mul3A_11, %add3A : vector<2560x64xf32>
    %select_n3A = arith.select %ge3A_10, %add3A, %mul3A_12 : vector<2560x64xi1>, vector<2560x64xf32>
    %get3A_13 = arith.constant 0 : index
    %get3A_14 = arith.constant 0 : index
    %get3A_15 = vector.load %arg4[%get3A_13, %get3A_14] : memref<1x64xf32, #tpu.memory_space<vmem>>, vector<1x64xf32>
    %convert_element_type3A = arith.truncf %select_n3A : vector<2560x64xf32> to vector<2560x64xbf16>
    %convert_element_type3A_16 = arith.extf %convert_element_type3A : vector<2560x64xbf16> to vector<2560x64xf32>
    %convert_element_type3A_17 = arith.truncf %get3A_15 : vector<1x64xf32> to vector<1x64xbf16>
    %convert_element_type3A_18 = arith.extf %convert_element_type3A_17 : vector<1x64xbf16> to vector<1x64xf32>
    %mul3A_19 = vector.broadcast %convert_element_type3A_18 : vector<1x64xf32> to vector<2560x64xf32>
    %mul3A_20 = arith.mulf %convert_element_type3A_16, %mul3A_19 : vector<2560x64xf32>
    %reduce_sum3A = arith.constant dense<0.000000e+00> : vector<2560xf32>
    %reduce_sum3A_21 = vector.multi_reduction <add>, %mul3A_20, %reduce_sum3A [1] : vector<2560x64xf32> to vector<2560xf32>
    %broadcast_in_dim3A = vector.shape_cast %reduce_sum3A_21 : vector<2560xf32> to vector<2560x1xf32>
    %get3A_22 = arith.constant 0 : index
    %get3A_23 = arith.constant 0 : index
    %get3A_24 = vector.load %arg6[%get3A_22, %get3A_23] : memref<2560x1xf32, #tpu.memory_space<vmem>>, vector<2560x1xf32>
    %add3A_25 = arith.addf %broadcast_in_dim3A, %get3A_24 : vector<2560x1xf32>
    %ge3A_26 = arith.constant 0.000000e+00 : f32
    %ge3A_27 = vector.broadcast %ge3A_26 : f32 to vector<2560x1xf32>
    %ge3A_28 = arith.cmpf oge, %add3A_25, %ge3A_27 : vector<2560x1xf32>
    %mul3A_29 = arith.constant 0.00999999977 : f32
    %mul3A_30 = vector.broadcast %mul3A_29 : f32 to vector<2560x1xf32>
    %mul3A_31 = arith.mulf %mul3A_30, %add3A_25 : vector<2560x1xf32>
    %select_n3A_32 = arith.select %ge3A_28, %add3A_25, %mul3A_31 : vector<2560x1xi1>, vector<2560x1xf32>
    %iota3A = tpu.iota {dimensions = array<i32: 0>} : vector<2560x1xi32>
    %mul3A_33 = arith.constant 2560 : i32
    %mul3A_34 = arith.muli %arg0, %mul3A_33 : i32
    %add3A_35 = vector.broadcast %mul3A_34 : i32 to vector<2560x1xi32>
    %add3A_36 = arith.addi %iota3A, %add3A_35 : vector<2560x1xi32>
    %lt3A = arith.constant 320000 : i32
    %lt3A_37 = vector.broadcast %lt3A : i32 to vector<2560x1xi32>
    %lt3A_38 = arith.cmpi slt, %add3A_36, %lt3A_37 : vector<2560x1xi32>
    %jit3A = arith.constant -6.000000e+01 : f32
    %jit3A_39 = arith.constant 6.000000e+01 : f32
    %max3A = vector.broadcast %jit3A : f32 to vector<2560x1xf32>
    %max3A_40 = arith.maximumf %max3A, %select_n3A_32 : vector<2560x1xf32>
    %min3A = vector.broadcast %jit3A_39 : f32 to vector<2560x1xf32>
    %min3A_41 = arith.minimumf %min3A, %max3A_40 : vector<2560x1xf32>
    %exp3A = math.exp %min3A_41 : vector<2560x1xf32>
    %jit3A_42 = arith.constant 0.000000e+00 : f32
    %broadcast_in_dim3A_43 = vector.broadcast %jit3A_42 : f32 to vector<2560x1xf32>
    %select_n3A_44 = arith.select %lt3A_38, %exp3A, %broadcast_in_dim3A_43 : vector<2560x1xi1>, vector<2560x1xf32>
    %broadcast_in_dim3A_45 = arith.constant 1.000000e+00 : f32
    %broadcast_in_dim3A_46 = vector.broadcast %broadcast_in_dim3A_45 : f32 to vector<64x1xf32>
    %dot_general3A_47 = arith.constant dense<0.000000e+00> : vector<2560x64xf32>
    %dot_general3A_48 = tpu.matmul %select_n3A_44, %broadcast_in_dim3A_46, %dot_general3A_47 {dimension_numbers = #tpu.dot_dimension_numbers<[1], [1], [0], [0], [0, 0, 1, 0], [], []>, transpose_lhs_hint = false} : vector<2560x1xf32>, vector<64x1xf32>, vector<2560x64xf32> -> vector<2560x64xf32>
    %get3A_49 = arith.constant 0 : index
    %get3A_50 = arith.constant 0 : index
    %get3A_51 = vector.load %arg5[%get3A_49, %get3A_50] : memref<64x64xf32, #tpu.memory_space<vmem>>, vector<64x64xf32>
    %dot_general3A_52 = arith.constant dense<0.000000e+00> : vector<2560x64xf32>
    %dot_general3A_53 = tpu.matmul %select_n3A, %get3A_51, %dot_general3A_52 {dimension_numbers = #tpu.dot_dimension_numbers<[1], [1], [0], [0], [0, 0, 1, 0], [], []>, transpose_lhs_hint = false} : vector<2560x64xf32>, vector<64x64xf32>, vector<2560x64xf32> -> vector<2560x64xf32>
    %mul3A_54 = arith.mulf %dot_general3A_53, %dot_general3A_48 : vector<2560x64xf32>
    %broadcast_in_dim3A_55 = arith.constant 0.000000e+00 : f32
    %broadcast_in_dim3A_56 = vector.broadcast %broadcast_in_dim3A_55 : f32 to vector<2560x15xf32>
    %concatenate3A = tpu.concatenate %mul3A_54, %select_n3A_44, %broadcast_in_dim3A_56 in 1 : vector<2560x64xf32>, vector<2560x1xf32>, vector<2560x15xf32> -> vector<2560x80xf32>
    %swap3A = arith.constant 0 : index
    %swap3A_57 = arith.constant 0 : index
    %swap3A_58 = vector.load %arg7[%swap3A, %swap3A_57] : memref<2560x80xf32, #tpu.memory_space<vmem>>, vector<2560x80xf32>
    tpu.vector_store %arg7[%swap3A, %swap3A_57], %concatenate3A {strides = array<i32>} : memref<2560x80xf32, #tpu.memory_space<vmem>>, vector<2560x80xf32>,
    return
  }
  func.func @transform_0(%arg0: i32) -> (i32, i32) {
    %c0_i32 = arith.constant 0 : i32
    %c0_i32_0 = arith.constant 0 : i32
    return %arg0, %c0_i32 : i32, i32
  }
  func.func @transform_1(%arg0: i32) -> (i32, i32) {
    %min3A = arith.constant 124 : i32
    %min3A_0 = arith.minsi %arg0, %min3A : i32
    %c0_i32 = arith.constant 0 : i32
    %c0_i32_1 = arith.constant 0 : i32
    return %min3A_0, %c0_i32 : i32, i32
  }
  func.func @transform_2(%arg0: i32) -> (i32, i32) {
    %c0_i32 = arith.constant 0 : i32
    %c0_i32_0 = arith.constant 0 : i32
    %c0_i32_1 = arith.constant 0 : i32
    return %c0_i32, %c0_i32_0 : i32, i32
  }
  func.func @transform_3(%arg0: i32) -> (i32, i32) {
    %c0_i32 = arith.constant 0 : i32
    %c0_i32_0 = arith.constant 0 : i32
    %c0_i32_1 = arith.constant 0 : i32
    return %c0_i32, %c0_i32_0 : i32, i32
  }
  func.func @transform_4(%arg0: i32) -> (i32, i32) {
    %c0_i32 = arith.constant 0 : i32
    %c0_i32_0 = arith.constant 0 : i32
    %c0_i32_1 = arith.constant 0 : i32
    return %c0_i32, %c0_i32_0 : i32, i32
  }
  func.func @transform_5(%arg0: i32) -> (i32, i32) {
    %c0_i32 = arith.constant 0 : i32
    %c0_i32_0 = arith.constant 0 : i32
    return %arg0, %c0_i32 : i32, i32
  }
  func.func @transform_6(%arg0: i32) -> (i32, i32) {
    %c0_i32 = arith.constant 0 : i32
    %c0_i32_0 = arith.constant 0 : i32
    return %arg0, %c0_i32 : i32, i32
  }
}

module attributes {stable_mosaic.version = 14 : i64} {
  func.func @_node_post_body(%arg0: i32, %arg1: memref<2x1000x80xf32, #tpu.memory_space<vmem>>, %arg2: memref<1000x64xf32, #tpu.memory_space<vmem>>, %arg3: memref<64xf32, #tpu.memory_space<vmem>>, %arg4: memref<192x64xf32, #tpu.memory_space<vmem>>, %arg5: memref<192x64xf32, #tpu.memory_space<vmem>>, %arg6: memref<192xf32, #tpu.memory_space<vmem>>, %arg7: memref<192xf32, #tpu.memory_space<vmem>>, %arg8: memref<64x64xf32, #tpu.memory_space<vmem>>, %arg9: memref<64xf32, #tpu.memory_space<vmem>>, %arg10: memref<1000x64xf32, #tpu.memory_space<vmem>>, %arg11: memref<1000x1xf32, #tpu.memory_space<vmem>>, %arg12: memref<1x64xf32, #tpu.memory_space<vmem>>) attributes {dimension_semantics = [#tpu.dimension_semantics<arbitrary>], iteration_bounds = array<i64: 10>, scalar_prefetch = 0 : i64, scratch_operands = 0 : i64, tpu.core_type = #tpu.core_type<tc>, window_params = [{transform_indices = @transform_0, window_bounds = array<i64: 2, 1000, 80>}, {transform_indices = @transform_1, window_bounds = array<i64: 1000, 64>}, {pipeline_mode = #tpu.pipeline_mode<synchronous>, transform_indices = @transform_2, window_bounds = array<i64: 64>}, {pipeline_mode = #tpu.pipeline_mode<synchronous>, transform_indices = @transform_3, window_bounds = array<i64: 192, 64>}, {pipeline_mode = #tpu.pipeline_mode<synchronous>, transform_indices = @transform_4, window_bounds = array<i64: 192, 64>}, {pipeline_mode = #tpu.pipeline_mode<synchronous>, transform_indices = @transform_5, window_bounds = array<i64: 192>}, {pipeline_mode = #tpu.pipeline_mode<synchronous>, transform_indices = @transform_6, window_bounds = array<i64: 192>}, {pipeline_mode = #tpu.pipeline_mode<synchronous>, transform_indices = @transform_7, window_bounds = array<i64: 64, 64>}, {pipeline_mode = #tpu.pipeline_mode<synchronous>, transform_indices = @transform_8, window_bounds = array<i64: 64>}, {transform_indices = @transform_9, window_bounds = array<i64: 1000, 64>}, {transform_indices = @transform_10, window_bounds = array<i64: 1000, 1>}, {pipeline_mode = #tpu.pipeline_mode<synchronous>, transform_indices = @transform_11, window_bounds = array<i64: 1, 64>}]} {
    %get3A = arith.constant 0 : index
    %get3A_0 = arith.constant 0 : index
    %get3A_1 = arith.constant 0 : index
    %get3A_2 = vector.load %arg1[%get3A, %get3A_0, %get3A_1] : memref<2x1000x80xf32, #tpu.memory_space<vmem>>, vector<1x1000x80xf32>
    %get3A_3 = vector.shape_cast %get3A_2 : vector<1x1000x80xf32> to vector<1000x80xf32>
    %get3A_4 = arith.constant 1 : index
    %get3A_5 = arith.constant 0 : index
    %get3A_6 = arith.constant 0 : index
    %get3A_7 = vector.load %arg1[%get3A_4, %get3A_5, %get3A_6] : memref<2x1000x80xf32, #tpu.memory_space<vmem>>, vector<1x1000x80xf32>
    %get3A_8 = vector.shape_cast %get3A_7 : vector<1x1000x80xf32> to vector<1000x80xf32>
    %add3A = arith.addf %get3A_3, %get3A_8 : vector<1000x80xf32>
    %slice3A = vector.extract_strided_slice %add3A {offsets = [0, 0], sizes = [1000, 64], strides = [1, 1]} : vector<1000x80xf32> to vector<1000x64xf32>
    %slice3A_9 = vector.extract_strided_slice %add3A {offsets = [0, 64], sizes = [1000, 1], strides = [1, 1]} : vector<1000x80xf32> to vector<1000x1xf32>
    %broadcast_in_dim3A = arith.constant 1.000000e+00 : f32
    %broadcast_in_dim3A_10 = vector.broadcast %broadcast_in_dim3A : f32 to vector<64x1xf32>
    %dot_general3A = arith.constant dense<0.000000e+00> : vector<1000x64xf32>
    %dot_general3A_11 = tpu.matmul %slice3A_9, %broadcast_in_dim3A_10, %dot_general3A {dimension_numbers = #tpu.dot_dimension_numbers<[1], [1], [0], [0], [0, 0, 1, 0], [], []>, transpose_lhs_hint = false} : vector<1000x1xf32>, vector<64x1xf32>, vector<1000x64xf32> -> vector<1000x64xf32>
    %add3A_12 = arith.constant 1.000000e-16 : f32
    %add3A_13 = vector.broadcast %add3A_12 : f32 to vector<1000x64xf32>
    %add3A_14 = arith.addf %dot_general3A_11, %add3A_13 : vector<1000x64xf32>
    %div3A = arith.divf %slice3A, %add3A_14 : vector<1000x64xf32>
    %get3A_15 = arith.constant 0 : index
    %get3A_16 = vector.load %arg3[%get3A_15] : memref<64xf32, #tpu.memory_space<vmem>>, vector<64xf32>
    %broadcast_in_dim3A_17 = vector.shape_cast %get3A_16 : vector<64xf32> to vector<1x64xf32>
    %add3A_18 = vector.broadcast %broadcast_in_dim3A_17 : vector<1x64xf32> to vector<1000x64xf32>
    %add3A_19 = arith.addf %div3A, %add3A_18 : vector<1000x64xf32>
    %gt3A = arith.constant 0.000000e+00 : f32
    %gt3A_20 = vector.broadcast %gt3A : f32 to vector<1000x64xf32>
    %gt3A_21 = arith.cmpf ogt, %add3A_19, %gt3A_20 : vector<1000x64xf32>
    %min3A = arith.constant 0.000000e+00 : f32
    %min3A_22 = vector.broadcast %min3A : f32 to vector<1000x64xf32>
    %min3A_23 = arith.minimumf %add3A_19, %min3A_22 : vector<1000x64xf32>
    %exp3A = math.exp %min3A_23 : vector<1000x64xf32>
    %sub3A = arith.constant 1.000000e+00 : f32
    %sub3A_24 = vector.broadcast %sub3A : f32 to vector<1000x64xf32>
    %sub3A_25 = arith.subf %exp3A, %sub3A_24 : vector<1000x64xf32>
    %select_n3A = arith.select %gt3A_21, %add3A_19, %sub3A_25 : vector<1000x64xi1>, vector<1000x64xf32>
    %get3A_26 = arith.constant 0 : index
    %get3A_27 = arith.constant 0 : index
    %get3A_28 = vector.load %arg2[%get3A_26, %get3A_27] : memref<1000x64xf32, #tpu.memory_space<vmem>>, vector<1000x64xf32>
    %get3A_29 = arith.constant 0 : index
    %get3A_30 = arith.constant 0 : index
    %get3A_31 = vector.load %arg4[%get3A_29, %get3A_30] : memref<192x64xf32, #tpu.memory_space<vmem>>, vector<192x64xf32>
    %dot_general3A_32 = arith.constant dense<0.000000e+00> : vector<1000x192xf32>
    %dot_general3A_33 = tpu.matmul %select_n3A, %get3A_31, %dot_general3A_32 {dimension_numbers = #tpu.dot_dimension_numbers<[1], [1], [0], [0], [0, 0, 1, 0], [], []>, transpose_lhs_hint = false} : vector<1000x64xf32>, vector<192x64xf32>, vector<1000x192xf32> -> vector<1000x192xf32>
    %get3A_34 = arith.constant 0 : index
    %get3A_35 = vector.load %arg6[%get3A_34] : memref<192xf32, #tpu.memory_space<vmem>>, vector<192xf32>
    %broadcast_in_dim3A_36 = vector.shape_cast %get3A_35 : vector<192xf32> to vector<1x192xf32>
    %add3A_37 = vector.broadcast %broadcast_in_dim3A_36 : vector<1x192xf32> to vector<1000x192xf32>
    %add3A_38 = arith.addf %dot_general3A_33, %add3A_37 : vector<1000x192xf32>
    %get3A_39 = arith.constant 0 : index
    %get3A_40 = arith.constant 0 : index
    %get3A_41 = vector.load %arg5[%get3A_39, %get3A_40] : memref<192x64xf32, #tpu.memory_space<vmem>>, vector<192x64xf32>
    %dot_general3A_42 = arith.constant dense<0.000000e+00> : vector<1000x192xf32>
    %dot_general3A_43 = tpu.matmul %get3A_28, %get3A_41, %dot_general3A_42 {dimension_numbers = #tpu.dot_dimension_numbers<[1], [1], [0], [0], [0, 0, 1, 0], [], []>, transpose_lhs_hint = false} : vector<1000x64xf32>, vector<192x64xf32>, vector<1000x192xf32> -> vector<1000x192xf32>
    %get3A_44 = arith.constant 0 : index
    %get3A_45 = vector.load %arg7[%get3A_44] : memref<192xf32, #tpu.memory_space<vmem>>, vector<192xf32>
    %broadcast_in_dim3A_46 = vector.shape_cast %get3A_45 : vector<192xf32> to vector<1x192xf32>
    %add3A_47 = vector.broadcast %broadcast_in_dim3A_46 : vector<1x192xf32> to vector<1000x192xf32>
    %add3A_48 = arith.addf %dot_general3A_43, %add3A_47 : vector<1000x192xf32>
    %slice3A_49 = vector.extract_strided_slice %add3A_38 {offsets = [0, 0], sizes = [1000, 64], strides = [1, 1]} : vector<1000x192xf32> to vector<1000x64xf32>
    %slice3A_50 = vector.extract_strided_slice %add3A_48 {offsets = [0, 0], sizes = [1000, 64], strides = [1, 1]} : vector<1000x192xf32> to vector<1000x64xf32>
    %add3A_51 = arith.addf %slice3A_49, %slice3A_50 : vector<1000x64xf32>
    %logistic3A = arith.negf %add3A_51 : vector<1000x64xf32>
    %logistic3A_52 = math.exp %logistic3A : vector<1000x64xf32>
    %logistic3A_53 = arith.constant 1.000000e+00 : f32
    %logistic3A_54 = vector.broadcast %logistic3A_53 : f32 to vector<1000x64xf32>
    %logistic3A_55 = arith.addf %logistic3A_54, %logistic3A_52 : vector<1000x64xf32>
    %logistic3A_56 = arith.divf %logistic3A_54, %logistic3A_55 : vector<1000x64xf32>
    %slice3A_57 = vector.extract_strided_slice %add3A_38 {offsets = [0, 64], sizes = [1000, 64], strides = [1, 1]} : vector<1000x192xf32> to vector<1000x64xf32>
    %slice3A_58 = vector.extract_strided_slice %add3A_48 {offsets = [0, 64], sizes = [1000, 64], strides = [1, 1]} : vector<1000x192xf32> to vector<1000x64xf32>
    %add3A_59 = arith.addf %slice3A_57, %slice3A_58 : vector<1000x64xf32>
    %logistic3A_60 = arith.negf %add3A_59 : vector<1000x64xf32>
    %logistic3A_61 = math.exp %logistic3A_60 : vector<1000x64xf32>
    %logistic3A_62 = arith.constant 1.000000e+00 : f32
    %logistic3A_63 = vector.broadcast %logistic3A_62 : f32 to vector<1000x64xf32>
    %logistic3A_64 = arith.addf %logistic3A_63, %logistic3A_61 : vector<1000x64xf32>
    %logistic3A_65 = arith.divf %logistic3A_63, %logistic3A_64 : vector<1000x64xf32>
    %slice3A_66 = vector.extract_strided_slice %add3A_38 {offsets = [0, 128], sizes = [1000, 64], strides = [1, 1]} : vector<1000x192xf32> to vector<1000x64xf32>
    %slice3A_67 = vector.extract_strided_slice %add3A_48 {offsets = [0, 128], sizes = [1000, 64], strides = [1, 1]} : vector<1000x192xf32> to vector<1000x64xf32>
    %mul3A = arith.mulf %logistic3A_56, %slice3A_67 : vector<1000x64xf32>
    %add3A_68 = arith.addf %slice3A_66, %mul3A : vector<1000x64xf32>
    %tanh3A = math.tanh %add3A_68 : vector<1000x64xf32>
    %sub3A_69 = arith.constant 1.000000e+00 : f32
    %sub3A_70 = vector.broadcast %sub3A_69 : f32 to vector<1000x64xf32>
    %sub3A_71 = arith.subf %sub3A_70, %logistic3A_65 : vector<1000x64xf32>
    %mul3A_72 = arith.mulf %sub3A_71, %tanh3A : vector<1000x64xf32>
    %mul3A_73 = arith.mulf %logistic3A_65, %get3A_28 : vector<1000x64xf32>
    %add3A_74 = arith.addf %mul3A_72, %mul3A_73 : vector<1000x64xf32>
    %max3A = arith.constant 0.000000e+00 : f32
    %max3A_75 = vector.broadcast %max3A : f32 to vector<1000x64xf32>
    %max3A_76 = arith.maximumf %add3A_74, %max3A_75 : vector<1000x64xf32>
    %get3A_77 = arith.constant 0 : index
    %get3A_78 = arith.constant 0 : index
    %get3A_79 = vector.load %arg8[%get3A_77, %get3A_78] : memref<64x64xf32, #tpu.memory_space<vmem>>, vector<64x64xf32>
    %dot_general3A_80 = arith.constant dense<0.000000e+00> : vector<1000x64xf32>
    %dot_general3A_81 = tpu.matmul %max3A_76, %get3A_79, %dot_general3A_80 {dimension_numbers = #tpu.dot_dimension_numbers<[1], [1], [0], [0], [0, 0, 1, 0], [], []>, transpose_lhs_hint = false} : vector<1000x64xf32>, vector<64x64xf32>, vector<1000x64xf32> -> vector<1000x64xf32>
    %swap3A = arith.constant 0 : index
    %swap3A_82 = arith.constant 0 : index
    %swap3A_83 = vector.load %arg10[%swap3A, %swap3A_82] : memref<1000x64xf32, #tpu.memory_space<vmem>>, vector<1000x64xf32>
    tpu.vector_store %arg10[%swap3A, %swap3A_82], %dot_general3A_81 {strides = array<i32>} : memref<1000x64xf32, #tpu.memory_space<vmem>>, vector<1000x64xf32>,
    %get3A_84 = arith.constant 0 : index
    %get3A_85 = vector.load %arg9[%get3A_84] : memref<64xf32, #tpu.memory_space<vmem>>, vector<64xf32>
    %broadcast_in_dim3A_86 = vector.shape_cast %get3A_85 : vector<64xf32> to vector<1x64xf32>
    %mul3A_87 = vector.broadcast %broadcast_in_dim3A_86 : vector<1x64xf32> to vector<1000x64xf32>
    %mul3A_88 = arith.mulf %dot_general3A_81, %mul3A_87 : vector<1000x64xf32>
    %reduce_sum3A = arith.constant dense<0.000000e+00> : vector<1000xf32>
    %reduce_sum3A_89 = vector.multi_reduction <add>, %mul3A_88, %reduce_sum3A [1] : vector<1000x64xf32> to vector<1000xf32>
    %broadcast_in_dim3A_90 = vector.shape_cast %reduce_sum3A_89 : vector<1000xf32> to vector<1000x1xf32>
    %swap3A_91 = arith.constant 0 : index
    %swap3A_92 = arith.constant 0 : index
    %swap3A_93 = vector.load %arg11[%swap3A_91, %swap3A_92] : memref<1000x1xf32, #tpu.memory_space<vmem>>, vector<1000x1xf32>
    tpu.vector_store %arg11[%swap3A_91, %swap3A_92], %broadcast_in_dim3A_90 {strides = array<i32>} : memref<1000x1xf32, #tpu.memory_space<vmem>>, vector<1000x1xf32>,
    %eq3A = arith.constant 0 : i32
    %eq3A_94 = arith.cmpi eq, %arg0, %eq3A : i32
    %convert_element_type3A = arith.extui %eq3A_94 : i1 to i32
    %cond3A = arith.constant 0 : i32
    %cond3A_95 = arith.cmpi ne, %convert_element_type3A, %cond3A : i32
    scf.if %cond3A_95 {
      %broadcast_in_dim3A_106 = arith.constant 0.000000e+00 : f32
      %broadcast_in_dim3A_107 = vector.broadcast %broadcast_in_dim3A_106 : f32 to vector<1x64xf32>
      %swap3A_108 = arith.constant 0 : index
      %swap3A_109 = arith.constant 0 : index
      %swap3A_110 = vector.load %arg12[%swap3A_108, %swap3A_109] : memref<1x64xf32, #tpu.memory_space<vmem>>, vector<1x64xf32>
      tpu.vector_store %arg12[%swap3A_108, %swap3A_109], %broadcast_in_dim3A_107 {strides = array<i32>} : memref<1x64xf32, #tpu.memory_space<vmem>>, vector<1x64xf32>,
    } else {
    }
    %get3A_96 = arith.constant 0 : index
    %get3A_97 = arith.constant 0 : index
    %get3A_98 = vector.load %arg12[%get3A_96, %get3A_97] : memref<1x64xf32, #tpu.memory_space<vmem>>, vector<1x64xf32>
    %reduce_sum3A_99 = arith.constant dense<0.000000e+00> : vector<64xf32>
    %reduce_sum3A_100 = vector.multi_reduction <add>, %max3A_76, %reduce_sum3A_99 [0] : vector<1000x64xf32> to vector<64xf32>
    %broadcast_in_dim3A_101 = vector.shape_cast %reduce_sum3A_100 : vector<64xf32> to vector<1x64xf32>
    %add3A_102 = arith.addf %get3A_98, %broadcast_in_dim3A_101 : vector<1x64xf32>
    %swap3A_103 = arith.constant 0 : index
    %swap3A_104 = arith.constant 0 : index
    %swap3A_105 = vector.load %arg12[%swap3A_103, %swap3A_104] : memref<1x64xf32, #tpu.memory_space<vmem>>, vector<1x64xf32>
    tpu.vector_store %arg12[%swap3A_103, %swap3A_104], %add3A_102 {strides = array<i32>} : memref<1x64xf32, #tpu.memory_space<vmem>>, vector<1x64xf32>,
    return
  }
  func.func @transform_0(%arg0: i32) -> (i32, i32, i32) {
    %c0_i32 = arith.constant 0 : i32
    %c0_i32_0 = arith.constant 0 : i32
    %c0_i32_1 = arith.constant 0 : i32
    return %c0_i32, %arg0, %c0_i32_0 : i32, i32, i32
  }
  func.func @transform_1(%arg0: i32) -> (i32, i32) {
    %c0_i32 = arith.constant 0 : i32
    %c0_i32_0 = arith.constant 0 : i32
    return %arg0, %c0_i32 : i32, i32
  }
  func.func @transform_2(%arg0: i32) -> i32 {
    %c0_i32 = arith.constant 0 : i32
    %c0_i32_0 = arith.constant 0 : i32
    return %c0_i32 : i32
  }
  func.func @transform_3(%arg0: i32) -> (i32, i32) {
    %c0_i32 = arith.constant 0 : i32
    %c0_i32_0 = arith.constant 0 : i32
    %c0_i32_1 = arith.constant 0 : i32
    return %c0_i32, %c0_i32_0 : i32, i32
  }
  func.func @transform_4(%arg0: i32) -> (i32, i32) {
    %c0_i32 = arith.constant 0 : i32
    %c0_i32_0 = arith.constant 0 : i32
    %c0_i32_1 = arith.constant 0 : i32
    return %c0_i32, %c0_i32_0 : i32, i32
  }
  func.func @transform_5(%arg0: i32) -> i32 {
    %c0_i32 = arith.constant 0 : i32
    %c0_i32_0 = arith.constant 0 : i32
    return %c0_i32 : i32
  }
  func.func @transform_6(%arg0: i32) -> i32 {
    %c0_i32 = arith.constant 0 : i32
    %c0_i32_0 = arith.constant 0 : i32
    return %c0_i32 : i32
  }
  func.func @transform_7(%arg0: i32) -> (i32, i32) {
    %c0_i32 = arith.constant 0 : i32
    %c0_i32_0 = arith.constant 0 : i32
    %c0_i32_1 = arith.constant 0 : i32
    return %c0_i32, %c0_i32_0 : i32, i32
  }
  func.func @transform_8(%arg0: i32) -> i32 {
    %c0_i32 = arith.constant 0 : i32
    %c0_i32_0 = arith.constant 0 : i32
    return %c0_i32 : i32
  }
  func.func @transform_9(%arg0: i32) -> (i32, i32) {
    %c0_i32 = arith.constant 0 : i32
    %c0_i32_0 = arith.constant 0 : i32
    return %arg0, %c0_i32 : i32, i32
  }
  func.func @transform_10(%arg0: i32) -> (i32, i32) {
    %c0_i32 = arith.constant 0 : i32
    %c0_i32_0 = arith.constant 0 : i32
    return %arg0, %c0_i32 : i32, i32
  }
  func.func @transform_11(%arg0: i32) -> (i32, i32) {
    %c0_i32 = arith.constant 0 : i32
    %c0_i32_0 = arith.constant 0 : i32
    %c0_i32_1 = arith.constant 0 : i32
    return %c0_i32, %c0_i32_0 : i32, i32
  }
}

module attributes {stable_mosaic.version = 14 : i64} {
  func.func @_readout_body(%arg0: i32, %arg1: memref<1000x64xf32, #tpu.memory_space<vmem>>, %arg2: memref<1000x1xf32, #tpu.memory_space<vmem>>, %arg3: memref<1x64xf32, #tpu.memory_space<vmem>>, %arg4: memref<64x64xf32, #tpu.memory_space<vmem>>, %arg5: memref<64xf32, #tpu.memory_space<vmem>>, %arg6: memref<64xf32, #tpu.memory_space<vmem>>, %arg7: memref<192x64xf32, #tpu.memory_space<vmem>>, %arg8: memref<192x64xf32, #tpu.memory_space<vmem>>, %arg9: memref<192xf32, #tpu.memory_space<vmem>>, %arg10: memref<192xf32, #tpu.memory_space<vmem>>, %arg11: memref<64x64xf32, #tpu.memory_space<vmem>>, %arg12: memref<64xf32, #tpu.memory_space<vmem>>, %arg13: memref<1x64xf32, #tpu.memory_space<vmem>>, %arg14: memref<1x64xf32, #tpu.memory_space<vmem>>, %arg15: memref<1x64xf32, #tpu.memory_space<vmem>>) attributes {dimension_semantics = [#tpu.dimension_semantics<arbitrary>], iteration_bounds = array<i64: 10>, scalar_prefetch = 0 : i64, scratch_operands = 2 : i64, tpu.core_type = #tpu.core_type<tc>, window_params = [{transform_indices = @transform_0, window_bounds = array<i64: 1000, 64>}, {transform_indices = @transform_1, window_bounds = array<i64: 1000, 1>}, {pipeline_mode = #tpu.pipeline_mode<synchronous>, transform_indices = @transform_2, window_bounds = array<i64: 1, 64>}, {pipeline_mode = #tpu.pipeline_mode<synchronous>, transform_indices = @transform_3, window_bounds = array<i64: 64, 64>}, {pipeline_mode = #tpu.pipeline_mode<synchronous>, transform_indices = @transform_4, window_bounds = array<i64: 64>}, {pipeline_mode = #tpu.pipeline_mode<synchronous>, transform_indices = @transform_5, window_bounds = array<i64: 64>}, {pipeline_mode = #tpu.pipeline_mode<synchronous>, transform_indices = @transform_6, window_bounds = array<i64: 192, 64>}, {pipeline_mode = #tpu.pipeline_mode<synchronous>, transform_indices = @transform_7, window_bounds = array<i64: 192, 64>}, {pipeline_mode = #tpu.pipeline_mode<synchronous>, transform_indices = @transform_8, window_bounds = array<i64: 192>}, {pipeline_mode = #tpu.pipeline_mode<synchronous>, transform_indices = @transform_9, window_bounds = array<i64: 192>}, {pipeline_mode = #tpu.pipeline_mode<synchronous>, transform_indices = @transform_10, window_bounds = array<i64: 64, 64>}, {pipeline_mode = #tpu.pipeline_mode<synchronous>, transform_indices = @transform_11, window_bounds = array<i64: 64>}, {pipeline_mode = #tpu.pipeline_mode<synchronous>, transform_indices = @transform_12, window_bounds = array<i64: 1, 64>}]} {
    %eq3A = arith.constant 0 : i32
    %eq3A_0 = arith.cmpi eq, %arg0, %eq3A : i32
    %convert_element_type3A = arith.extui %eq3A_0 : i1 to i32
    %cond3A = arith.constant 0 : i32
    %cond3A_1 = arith.cmpi ne, %convert_element_type3A, %cond3A : i32
    scf.if %cond3A_1 {
      %broadcast_in_dim3A_58 = arith.constant 0.000000e+00 : f32
      %broadcast_in_dim3A_59 = vector.broadcast %broadcast_in_dim3A_58 : f32 to vector<1x64xf32>
      %swap3A_60 = arith.constant 0 : index
      %swap3A_61 = arith.constant 0 : index
      %swap3A_62 = vector.load %arg14[%swap3A_60, %swap3A_61] : memref<1x64xf32, #tpu.memory_space<vmem>>, vector<1x64xf32>
      tpu.vector_store %arg14[%swap3A_60, %swap3A_61], %broadcast_in_dim3A_59 {strides = array<i32>} : memref<1x64xf32, #tpu.memory_space<vmem>>, vector<1x64xf32>,
      %broadcast_in_dim3A_63 = arith.constant 0.000000e+00 : f32
      %broadcast_in_dim3A_64 = vector.broadcast %broadcast_in_dim3A_63 : f32 to vector<1x64xf32>
      %swap3A_65 = arith.constant 0 : index
      %swap3A_66 = arith.constant 0 : index
      %swap3A_67 = vector.load %arg15[%swap3A_65, %swap3A_66] : memref<1x64xf32, #tpu.memory_space<vmem>>, vector<1x64xf32>
      tpu.vector_store %arg15[%swap3A_65, %swap3A_66], %broadcast_in_dim3A_64 {strides = array<i32>} : memref<1x64xf32, #tpu.memory_space<vmem>>, vector<1x64xf32>,
    } else {
    }
    %get3A = arith.constant 0 : index
    %get3A_2 = arith.constant 0 : index
    %get3A_3 = vector.load %arg3[%get3A, %get3A_2] : memref<1x64xf32, #tpu.memory_space<vmem>>, vector<1x64xf32>
    %max3A = arith.constant 0.000000e+00 : f32
    %max3A_4 = vector.broadcast %max3A : f32 to vector<1x64xf32>
    %max3A_5 = arith.maximumf %get3A_3, %max3A_4 : vector<1x64xf32>
    %get3A_6 = arith.constant 0 : index
    %get3A_7 = arith.constant 0 : index
    %get3A_8 = vector.load %arg4[%get3A_6, %get3A_7] : memref<64x64xf32, #tpu.memory_space<vmem>>, vector<64x64xf32>
    %dot_general3A = arith.constant dense<0.000000e+00> : vector<1x64xf32>
    %dot_general3A_9 = tpu.matmul %max3A_5, %get3A_8, %dot_general3A {dimension_numbers = #tpu.dot_dimension_numbers<[1], [1], [0], [0], [0, 0, 1, 0], [], []>, transpose_lhs_hint = false} : vector<1x64xf32>, vector<64x64xf32>, vector<1x64xf32> -> vector<1x64xf32>
    %get3A_10 = arith.constant 0 : index
    %get3A_11 = vector.load %arg5[%get3A_10] : memref<64xf32, #tpu.memory_space<vmem>>, vector<64xf32>
    %broadcast_in_dim3A = vector.shape_cast %get3A_11 : vector<64xf32> to vector<1x64xf32>
    %mul3A = arith.mulf %dot_general3A_9, %broadcast_in_dim3A : vector<1x64xf32>
    %reduce_sum3A = vector.shape_cast %mul3A : vector<1x64xf32> to vector<1x1x64xf32>
    %reduce_sum3A_12 = arith.constant dense<0.000000e+00> : vector<1xf32>
    %reduce_sum3A_13 = vector.multi_reduction <add>, %reduce_sum3A, %reduce_sum3A_12 [1, 2] : vector<1x1x64xf32> to vector<1xf32>
    %reduce_sum3A_14 = vector.shape_cast %reduce_sum3A_13 : vector<1xf32> to vector<1x1x1xf32>
    %reduce_sum3A_15 = vector.extract %reduce_sum3A_14[0, 0, 0] : f32 from vector<1x1x1xf32>
    %get3A_16 = arith.constant 0 : index
    %get3A_17 = arith.constant 0 : index
    %get3A_18 = vector.load %arg2[%get3A_16, %get3A_17] : memref<1000x1xf32, #tpu.memory_space<vmem>>, vector<1000x1xf32>
    %add3A = vector.broadcast %reduce_sum3A_15 : f32 to vector<1000x1xf32>
    %add3A_19 = arith.addf %get3A_18, %add3A : vector<1000x1xf32>
    %ge3A = arith.constant 0.000000e+00 : f32
    %ge3A_20 = vector.broadcast %ge3A : f32 to vector<1000x1xf32>
    %ge3A_21 = arith.cmpf oge, %add3A_19, %ge3A_20 : vector<1000x1xf32>
    %mul3A_22 = arith.constant 0.00999999977 : f32
    %mul3A_23 = vector.broadcast %mul3A_22 : f32 to vector<1000x1xf32>
    %mul3A_24 = arith.mulf %mul3A_23, %add3A_19 : vector<1000x1xf32>
    %select_n3A = arith.select %ge3A_21, %add3A_19, %mul3A_24 : vector<1000x1xi1>, vector<1000x1xf32>
    %jit3A = arith.constant -6.000000e+01 : f32
    %jit3A_25 = arith.constant 6.000000e+01 : f32
    %max3A_26 = vector.broadcast %jit3A : f32 to vector<1000x1xf32>
    %max3A_27 = arith.maximumf %max3A_26, %select_n3A : vector<1000x1xf32>
    %min3A = vector.broadcast %jit3A_25 : f32 to vector<1000x1xf32>
    %min3A_28 = arith.minimumf %min3A, %max3A_27 : vector<1000x1xf32>
    %exp3A = math.exp %min3A_28 : vector<1000x1xf32>
    %get3A_29 = arith.constant 0 : index
    %get3A_30 = arith.constant 0 : index
    %get3A_31 = vector.load %arg14[%get3A_29, %get3A_30] : memref<1x64xf32, #tpu.memory_space<vmem>>, vector<1x64xf32>
    %get3A_32 = arith.constant 0 : index
    %get3A_33 = arith.constant 0 : index
    %get3A_34 = vector.load %arg1[%get3A_32, %get3A_33] : memref<1000x64xf32, #tpu.memory_space<vmem>>, vector<1000x64xf32>
    %dot_general3A_35 = arith.constant dense<0.000000e+00> : vector<1x64xf32>
    %dot_general3A_36 = tpu.matmul %exp3A, %get3A_34, %dot_general3A_35 {dimension_numbers = #tpu.dot_dimension_numbers<[0], [0], [1], [1], [0, 1, 1, 1], [], []>, precision = #tpu.contract_precision<fp32>, transpose_lhs_hint = false} : vector<1000x1xf32>, vector<1000x64xf32>, vector<1x64xf32> -> vector<1x64xf32>
    %add3A_37 = arith.addf %get3A_31, %dot_general3A_36 : vector<1x64xf32>
    %swap3A = arith.constant 0 : index
    %swap3A_38 = arith.constant 0 : index
    %swap3A_39 = vector.load %arg14[%swap3A, %swap3A_38] : memref<1x64xf32, #tpu.memory_space<vmem>>, vector<1x64xf32>
    tpu.vector_store %arg14[%swap3A, %swap3A_38], %add3A_37 {strides = array<i32>} : memref<1x64xf32, #tpu.memory_space<vmem>>, vector<1x64xf32>,
    %get3A_40 = arith.constant 0 : index
    %get3A_41 = arith.constant 0 : index
    %get3A_42 = vector.load %arg15[%get3A_40, %get3A_41] : memref<1x64xf32, #tpu.memory_space<vmem>>, vector<1x64xf32>
    %reduce_sum3A_43 = vector.shape_cast %exp3A : vector<1000x1xf32> to vector<1x1000x1xf32>
    %reduce_sum3A_44 = arith.constant dense<0.000000e+00> : vector<1xf32>
    %reduce_sum3A_45 = vector.multi_reduction <add>, %reduce_sum3A_43, %reduce_sum3A_44 [1, 2] : vector<1x1000x1xf32> to vector<1xf32>
    %reduce_sum3A_46 = vector.shape_cast %reduce_sum3A_45 : vector<1xf32> to vector<1x1x1xf32>
    %reduce_sum3A_47 = vector.extract %reduce_sum3A_46[0, 0, 0] : f32 from vector<1x1x1xf32>
    %broadcast_in_dim3A_48 = vector.broadcast %reduce_sum3A_47 : f32 to vector<1x64xf32>
    %add3A_49 = arith.addf %get3A_42, %broadcast_in_dim3A_48 : vector<1x64xf32>
    %swap3A_50 = arith.constant 0 : index
    %swap3A_51 = arith.constant 0 : index
    %swap3A_52 = vector.load %arg15[%swap3A_50, %swap3A_51] : memref<1x64xf32, #tpu.memory_space<vmem>>, vector<1x64xf32>
    tpu.vector_store %arg15[%swap3A_50, %swap3A_51], %add3A_49 {strides = array<i32>} : memref<1x64xf32, #tpu.memory_space<vmem>>, vector<1x64xf32>,
    %eq3A_53 = arith.constant 9 : i32
    %eq3A_54 = arith.cmpi eq, %arg0, %eq3A_53 : i32
    %convert_element_type3A_55 = arith.extui %eq3A_54 : i1 to i32
    %cond3A_56 = arith.constant 0 : i32
    %cond3A_57 = arith.cmpi ne, %convert_element_type3A_55, %cond3A_56 : i32
    scf.if %cond3A_57 {
      %get3A_58 = arith.constant 0 : index
      %get3A_59 = arith.constant 0 : index
      %get3A_60 = vector.load %arg14[%get3A_58, %get3A_59] : memref<1x64xf32, #tpu.memory_space<vmem>>, vector<1x64xf32>
      %get3A_61 = arith.constant 0 : index
      %get3A_62 = arith.constant 0 : index
      %get3A_63 = vector.load %arg15[%get3A_61, %get3A_62] : memref<1x64xf32, #tpu.memory_space<vmem>>, vector<1x64xf32>
      %div3A = arith.divf %get3A_60, %get3A_63 : vector<1x64xf32>
      %get3A_64 = arith.constant 0 : index
      %get3A_65 = vector.load %arg6[%get3A_64] : memref<64xf32, #tpu.memory_space<vmem>>, vector<64xf32>
      %broadcast_in_dim3A_66 = vector.shape_cast %get3A_65 : vector<64xf32> to vector<1x64xf32>
      %add3A_67 = arith.addf %div3A, %broadcast_in_dim3A_66 : vector<1x64xf32>
      %gt3A = arith.constant 0.000000e+00 : f32
      %gt3A_68 = vector.broadcast %gt3A : f32 to vector<1x64xf32>
      %gt3A_69 = arith.cmpf ogt, %add3A_67, %gt3A_68 : vector<1x64xf32>
      %min3A_70 = arith.constant 0.000000e+00 : f32
      %min3A_71 = vector.broadcast %min3A_70 : f32 to vector<1x64xf32>
      %min3A_72 = arith.minimumf %add3A_67, %min3A_71 : vector<1x64xf32>
      %exp3A_73 = math.exp %min3A_72 : vector<1x64xf32>
      %sub3A = arith.constant 1.000000e+00 : f32
      %sub3A_74 = vector.broadcast %sub3A : f32 to vector<1x64xf32>
      %sub3A_75 = arith.subf %exp3A_73, %sub3A_74 : vector<1x64xf32>
      %select_n3A_76 = arith.select %gt3A_69, %add3A_67, %sub3A_75 : vector<1x64xi1>, vector<1x64xf32>
      %get3A_77 = arith.constant 0 : index
      %get3A_78 = arith.constant 0 : index
      %get3A_79 = vector.load %arg7[%get3A_77, %get3A_78] : memref<192x64xf32, #tpu.memory_space<vmem>>, vector<192x64xf32>
      %dot_general3A_80 = arith.constant dense<0.000000e+00> : vector<1x192xf32>
      %dot_general3A_81 = tpu.matmul %select_n3A_76, %get3A_79, %dot_general3A_80 {dimension_numbers = #tpu.dot_dimension_numbers<[1], [1], [0], [0], [0, 0, 1, 0], [], []>, transpose_lhs_hint = false} : vector<1x64xf32>, vector<192x64xf32>, vector<1x192xf32> -> vector<1x192xf32>
      %get3A_82 = arith.constant 0 : index
      %get3A_83 = vector.load %arg9[%get3A_82] : memref<192xf32, #tpu.memory_space<vmem>>, vector<192xf32>
      %broadcast_in_dim3A_84 = vector.shape_cast %get3A_83 : vector<192xf32> to vector<1x192xf32>
      %add3A_85 = arith.addf %dot_general3A_81, %broadcast_in_dim3A_84 : vector<1x192xf32>
      %get3A_86 = arith.constant 0 : index
      %get3A_87 = arith.constant 0 : index
      %get3A_88 = vector.load %arg8[%get3A_86, %get3A_87] : memref<192x64xf32, #tpu.memory_space<vmem>>, vector<192x64xf32>
      %dot_general3A_89 = arith.constant dense<0.000000e+00> : vector<1x192xf32>
      %dot_general3A_90 = tpu.matmul %max3A_5, %get3A_88, %dot_general3A_89 {dimension_numbers = #tpu.dot_dimension_numbers<[1], [1], [0], [0], [0, 0, 1, 0], [], []>, transpose_lhs_hint = false} : vector<1x64xf32>, vector<192x64xf32>, vector<1x192xf32> -> vector<1x192xf32>
      %get3A_91 = arith.constant 0 : index
      %get3A_92 = vector.load %arg10[%get3A_91] : memref<192xf32, #tpu.memory_space<vmem>>, vector<192xf32>
      %broadcast_in_dim3A_93 = vector.shape_cast %get3A_92 : vector<192xf32> to vector<1x192xf32>
      %add3A_94 = arith.addf %dot_general3A_90, %broadcast_in_dim3A_93 : vector<1x192xf32>
      %slice3A = vector.extract_strided_slice %add3A_85 {offsets = [0, 0], sizes = [1, 64], strides = [1, 1]} : vector<1x192xf32> to vector<1x64xf32>
      %slice3A_95 = vector.extract_strided_slice %add3A_94 {offsets = [0, 0], sizes = [1, 64], strides = [1, 1]} : vector<1x192xf32> to vector<1x64xf32>
      %add3A_96 = arith.addf %slice3A, %slice3A_95 : vector<1x64xf32>
      %logistic3A = arith.negf %add3A_96 : vector<1x64xf32>
      %logistic3A_97 = math.exp %logistic3A : vector<1x64xf32>
      %logistic3A_98 = arith.constant 1.000000e+00 : f32
      %logistic3A_99 = vector.broadcast %logistic3A_98 : f32 to vector<1x64xf32>
      %logistic3A_100 = arith.addf %logistic3A_99, %logistic3A_97 : vector<1x64xf32>
      %logistic3A_101 = arith.divf %logistic3A_99, %logistic3A_100 : vector<1x64xf32>
      %slice3A_102 = vector.extract_strided_slice %add3A_85 {offsets = [0, 64], sizes = [1, 64], strides = [1, 1]} : vector<1x192xf32> to vector<1x64xf32>
      %slice3A_103 = vector.extract_strided_slice %add3A_94 {offsets = [0, 64], sizes = [1, 64], strides = [1, 1]} : vector<1x192xf32> to vector<1x64xf32>
      %add3A_104 = arith.addf %slice3A_102, %slice3A_103 : vector<1x64xf32>
      %logistic3A_105 = arith.negf %add3A_104 : vector<1x64xf32>
      %logistic3A_106 = math.exp %logistic3A_105 : vector<1x64xf32>
      %logistic3A_107 = arith.constant 1.000000e+00 : f32
      %logistic3A_108 = vector.broadcast %logistic3A_107 : f32 to vector<1x64xf32>
      %logistic3A_109 = arith.addf %logistic3A_108, %logistic3A_106 : vector<1x64xf32>
      %logistic3A_110 = arith.divf %logistic3A_108, %logistic3A_109 : vector<1x64xf32>
      %slice3A_111 = vector.extract_strided_slice %add3A_85 {offsets = [0, 128], sizes = [1, 64], strides = [1, 1]} : vector<1x192xf32> to vector<1x64xf32>
      %slice3A_112 = vector.extract_strided_slice %add3A_94 {offsets = [0, 128], sizes = [1, 64], strides = [1, 1]} : vector<1x192xf32> to vector<1x64xf32>
      %mul3A_113 = arith.mulf %logistic3A_101, %slice3A_112 : vector<1x64xf32>
      %add3A_114 = arith.addf %slice3A_111, %mul3A_113 : vector<1x64xf32>
      %tanh3A = math.tanh %add3A_114 : vector<1x64xf32>
      %sub3A_115 = arith.constant 1.000000e+00 : f32
      %sub3A_116 = vector.broadcast %sub3A_115 : f32 to vector<1x64xf32>
      %sub3A_117 = arith.subf %sub3A_116, %logistic3A_110 : vector<1x64xf32>
      %mul3A_118 = arith.mulf %sub3A_117, %tanh3A : vector<1x64xf32>
      %mul3A_119 = arith.mulf %logistic3A_110, %max3A_5 : vector<1x64xf32>
      %add3A_120 = arith.addf %mul3A_118, %mul3A_119 : vector<1x64xf32>
      %max3A_121 = arith.constant 0.000000e+00 : f32
      %max3A_122 = vector.broadcast %max3A_121 : f32 to vector<1x64xf32>
      %max3A_123 = arith.maximumf %add3A_120, %max3A_122 : vector<1x64xf32>
      %get3A_124 = arith.constant 0 : index
      %get3A_125 = arith.constant 0 : index
      %get3A_126 = vector.load %arg11[%get3A_124, %get3A_125] : memref<64x64xf32, #tpu.memory_space<vmem>>, vector<64x64xf32>
      %dot_general3A_127 = arith.constant dense<0.000000e+00> : vector<1x64xf32>
      %dot_general3A_128 = tpu.matmul %max3A_123, %get3A_126, %dot_general3A_127 {dimension_numbers = #tpu.dot_dimension_numbers<[1], [1], [0], [0], [0, 0, 1, 0], [], []>, transpose_lhs_hint = false} : vector<1x64xf32>, vector<64x64xf32>, vector<1x64xf32> -> vector<1x64xf32>
      %get3A_129 = arith.constant 0 : index
      %get3A_130 = vector.load %arg12[%get3A_129] : memref<64xf32, #tpu.memory_space<vmem>>, vector<64xf32>
      %broadcast_in_dim3A_131 = vector.shape_cast %get3A_130 : vector<64xf32> to vector<1x64xf32>
      %add3A_132 = arith.addf %dot_general3A_128, %broadcast_in_dim3A_131 : vector<1x64xf32>
      %swap3A_133 = arith.constant 0 : index
      %swap3A_134 = arith.constant 0 : index
      %swap3A_135 = vector.load %arg13[%swap3A_133, %swap3A_134] : memref<1x64xf32, #tpu.memory_space<vmem>>, vector<1x64xf32>
      tpu.vector_store %arg13[%swap3A_133, %swap3A_134], %add3A_132 {strides = array<i32>} : memref<1x64xf32, #tpu.memory_space<vmem>>, vector<1x64xf32>,
    } else {
    }
    return
  }
  func.func @transform_0(%arg0: i32) -> (i32, i32) {
    %c0_i32 = arith.constant 0 : i32
    %c0_i32_0 = arith.constant 0 : i32
    return %arg0, %c0_i32 : i32, i32
  }
  func.func @transform_1(%arg0: i32) -> (i32, i32) {
    %c0_i32 = arith.constant 0 : i32
    %c0_i32_0 = arith.constant 0 : i32
    return %arg0, %c0_i32 : i32, i32
  }
  func.func @transform_2(%arg0: i32) -> (i32, i32) {
    %c0_i32 = arith.constant 0 : i32
    %c0_i32_0 = arith.constant 0 : i32
    %c0_i32_1 = arith.constant 0 : i32
    return %c0_i32, %c0_i32_0 : i32, i32
  }
  func.func @transform_3(%arg0: i32) -> (i32, i32) {
    %c0_i32 = arith.constant 0 : i32
    %c0_i32_0 = arith.constant 0 : i32
    %c0_i32_1 = arith.constant 0 : i32
    return %c0_i32, %c0_i32_0 : i32, i32
  }
  func.func @transform_4(%arg0: i32) -> i32 {
    %c0_i32 = arith.constant 0 : i32
    %c0_i32_0 = arith.constant 0 : i32
    return %c0_i32 : i32
  }
  func.func @transform_5(%arg0: i32) -> i32 {
    %c0_i32 = arith.constant 0 : i32
    %c0_i32_0 = arith.constant 0 : i32
    return %c0_i32 : i32
  }
  func.func @transform_6(%arg0: i32) -> (i32, i32) {
    %c0_i32 = arith.constant 0 : i32
    %c0_i32_0 = arith.constant 0 : i32
    %c0_i32_1 = arith.constant 0 : i32
    return %c0_i32, %c0_i32_0 : i32, i32
  }
  func.func @transform_7(%arg0: i32) -> (i32, i32) {
    %c0_i32 = arith.constant 0 : i32
    %c0_i32_0 = arith.constant 0 : i32
    %c0_i32_1 = arith.constant 0 : i32
    return %c0_i32, %c0_i32_0 : i32, i32
  }
  func.func @transform_8(%arg0: i32) -> i32 {
    %c0_i32 = arith.constant 0 : i32
    %c0_i32_0 = arith.constant 0 : i32
    return %c0_i32 : i32
  }
  func.func @transform_9(%arg0: i32) -> i32 {
    %c0_i32 = arith.constant 0 : i32
    %c0_i32_0 = arith.constant 0 : i32
    return %c0_i32 : i32
  }
  func.func @transform_10(%arg0: i32) -> (i32, i32) {
    %c0_i32 = arith.constant 0 : i32
    %c0_i32_0 = arith.constant 0 : i32
    %c0_i32_1 = arith.constant 0 : i32
    return %c0_i32, %c0_i32_0 : i32, i32
  }
  func.func @transform_11(%arg0: i32) -> i32 {
    %c0_i32 = arith.constant 0 : i32
    %c0_i32_0 = arith.constant 0 : i32
    return %c0_i32 : i32
  }
  func.func @transform_12(%arg0: i32) -> (i32, i32) {
    %c0_i32 = arith.constant 0 : i32
    %c0_i32_0 = arith.constant 0 : i32
    %c0_i32_1 = arith.constant 0 : i32
    return %c0_i32, %c0_i32_0 : i32, i32
  }
}

</mosaic_0001>

<sc_bundles>
// kernel: kernel.11.cloned.1.call-start
scs
__scs_entry_jumppad:
0x0: {  	(pc) =	sbr.rel $0x88, $3  }
0x1: {  	(tag) =	ssettag $0x0;
	lr =	simm.s32 $0x1  }
0x2: {  	[smem:$0x3F89] =	sst lr;
	_ =	strace $0xD0000000  }
0x3: {  	_ = 	snop  }
0x4: {  	_ = 	snop  }
0x5: {  	_ = 	snop  }
0x6: {  	_ = 	snop  }
0x7: {  	_ = 	snop  }
__scs_overlays_trampoline_lowered:
0x8: {  	[smem:$0x3F98] =	sst s0  }
0x9: {  	[smem:$0x3F99] =	sst s1  }
0xa: {  	[smem:$0x3F9A] =	sst s2  }
0xb: {  	[smem:$0x3F9B] =	sst s3  }
0xc: {  	[smem:$0x3F9C] =	sst s4  }
0xd: {  	[smem:$0x3F9D] =	sst s5  }
0xe: {  	[smem:$0x3F9E] =	sst s6  }
0xf: {  	[smem:$0x3F9F] =	sst s7  }
0x10: {  	[smem:$0x3FA0] =	sst s8  }
0x11: {  	[smem:$0x3FA1] =	sst s9;
	s0 =	simm.s32 @!p0 $0x0  }
0x12: {  	s1 =	sld [smem:$0x3F87];
	s0 =	simm.s32 @p0 $0x1  }
0x13: {  	[smem:$0x3FA2] =	sst s0;
	s0 =	simm.s32 @!p1 $0x0  }
0x14: {  	s2 =	sld [smem:$0x3F86];
	s0 =	simm.s32 @p1 $0x1  }
0x15: {  	[smem:$0x3FA3] =	sst s0;
	s0 =	simm.s32 @!p2 $0x0  }
0x16: {  	s3 =	sld [smem:$0x3FDB];
	s0 =	simm.s32 @p2 $0x1  }
0x17: {  	s4 =	simm.s32 $0x1BF5;
	[smem:$0x3FA5] =	sst s0  }
0x18: {  	s0 =	sld [smem:$0x3F88];
	_ =	swait.ge [sflag:s4], $0x0  }
0x19: {  	s7 =	sld [smem:$0x3F89]  }
0x1a: {  	s8 =	sadd.s32 $0xFFFFE003, lr  }
0x1b: {  	s9 =	sadd.s32 $0xFFFFFEF7, lr;
	s5 =	simm.s32 $0xFFFFFFFF;
	p2 =	slt.u32 s8, $0xFFFFF086  }
0x1c: {  	p1 =	slt.u32 s9, $0xF7A;
	s5 =	simm.s32 @!p2 $0x0  }
0x1d: {  	s5 =	simm.s32 @p1 $0x1;
	p0 =	seq.s32 s7, s2  }
0x1e: {  	s7 =	smul.u32 @!p0 $0xF7A, s2;
	p2 =	seq.s32 @!p0 s5, $0x0  }
0x1f: {  	s9 =	smul.u32 $0xF7A, s1;
	s8 =	simm.s32 @!p0 $0x1BF5;
	p2 =	por !p2, p0  }
0x20: {  	[sflag:s8] =	ssyncset.s32 @!p0 $0xFFFFF086;
	s6 =	sadd.s32 @!p0 s3, s7;
	s7 =	simm.s32 @!p0 $0x108  }
0x21: {  	s3 =	sadd.s32 s3, s9;
	s6 =	sadd.s32 @!p0 $0x88, s6;
	s7 =	simm.s32 @p2 $0x1082  }
0x22: {  	[simem:s7], [sflag:s8] =	dma.local @!p0 [hbm:s6], $0xF7A  }
0x23: {  	s9 =	sor.u32 $0xD0000000, s2;
	s6 =	simm.s32 $0x108;
	_ =	swait.ge @!p0 [sflag:s8], $0x0  }
0x24: {  	s3 =	sadd.s32 $0x88, s3;
	s6 =	simm.s32 @!p1 $0x1082;
	[sflag:s4] =	ssyncset.s32 $0xFFFFF086  }
0x25: {  	[simem:s6], [sflag:s4] =	dma.local [hbm:s3], $0xF7A  }
0x26: {  	[smem:$0x3F89] =	sst s1;
	(tag) =	ssettag s2;
	_ =	strace s9  }
0x27: {  	s1 =	sld [smem:$0x3F99]  }
0x28: {  	s2 =	sld [smem:$0x3F9A]  }
0x29: {  	s4 =	sld [smem:$0x3F9C]  }
0x2a: {  	p0 =	seq.s32 s5, $0x0;
	s5 =	sld [smem:$0x3F9D]  }
0x2b: {  	s6 =	sld [smem:$0x3F9E]  }
0x2c: {  	s7 =	sld [smem:$0x3F9F]  }
0x2d: {  	s3 =	simm.s32 $0x108;
	s8 =	sld [smem:$0x3FA0]  }
0x2e: {  	s3 =	simm.s32 @!p0 $0x1082;
	s9 =	sld [smem:$0x3FA1]  }
0x2f: {  	lr =	sadd.s32 s0, s3;
	s0 =	sld [smem:$0x3F98]  }
0x30: {  	s3 =	sld [smem:$0x3F9B]  }
0x31: {  	[smem:$0x3FA4] =	sst s10  }
0x32: {  	s10 =	sld [smem:$0x3FA2];
	_ =	sdelay $0x3  }
0x33: {  	p0 =	seq.s32 s10, $0x1;
	s10 =	sld [smem:$0x3FA4];
	_ =	sdelay $0x3  }
0x34: {  	[smem:$0x3FA4] =	sst s10  }
0x35: {  	s10 =	sld [smem:$0x3FA3];
	_ =	sdelay $0x3  }
0x36: {  	p1 =	seq.s32 s10, $0x1;
	s10 =	sld [smem:$0x3FA4];
	_ =	sdelay $0x3  }
0x37: {  	[smem:$0x3FA4] =	sst s10  }
0x38: {  	s10 =	sld [smem:$0x3FA5]  }
0x39: {  	_ = 	snop;
	(pc) =	sbr.ind lr, $3  }
0x3a: {  	_ = 	snop  }
0x3b: {  	_ = 	snop  }
0x3c: {  	p2 =	seq.s32 s10, $0x1;
	s10 =	sld [smem:$0x3FA4]  }
0x3d: {  	_ =	shalt  }
0x3e: {  	_ =	shalt  }
0x3f: {  	_ =	shalt  }
0x40: {  	_ =	shalt  }
0x41: {  	_ =	shalt  }
0x42: {  	_ =	shalt  }
0x43: {  	_ =	shalt  }
0x44: {  	_ =	shalt  }
0x45: {  	_ =	shalt  }
0x46: {  	_ =	shalt  }
0x47: {  	_ =	shalt  }
0x48: {  	_ =	shalt  }
0x49: {  	_ =	shalt  }
0x4a: {  	_ =	shalt  }
0x4b: {  	_ =	shalt  }
0x4c: {  	_ =	shalt  }
0x4d: {  	_ =	shalt  }
0x4e: {  	_ =	shalt  }
0x4f: {  	_ =	shalt  }
0x50: {  	_ =	shalt  }
0x51: {  	_ =	shalt  }
0x52: {  	_ =	shalt  }
0x53: {  	_ =	shalt  }
0x54: {  	_ =	shalt  }
0x55: {  	_ =	shalt  }
0x56: {  	_ =	shalt  }
0x57: {  	_ =	shalt  }
0x58: {  	_ =	shalt  }
0x59: {  	_ =	shalt  }
0x5a: {  	_ =	shalt  }
0x5b: {  	_ =	shalt  }
0x5c: {  	_ =	shalt  }
0x5d: {  	_ =	shalt  }
0x5e: {  	_ =	shalt  }
0x5f: {  	_ =	shalt  }
0x60: {  	_ =	shalt  }
0x61: {  	_ =	shalt  }
0x62: {  	_ =	shalt  }
0x63: {  	_ =	shalt  }
0x64: {  	_ =	shalt  }
0x65: {  	_ =	shalt  }
0x66: {  	_ =	shalt  }
0x67: {  	_ =	shalt  }
0x68: {  	_ =	shalt  }
0x69: {  	_ =	shalt  }
0x6a: {  	_ =	shalt  }
0x6b: {  	_ =	shalt  }
0x6c: {  	_ =	shalt  }
0x6d: {  	_ =	shalt  }
0x6e: {  	_ =	shalt  }
0x6f: {  	_ =	shalt  }
0x70: {  	_ =	shalt  }
0x71: {  	_ =	shalt  }
0x72: {  	_ =	shalt  }
0x73: {  	_ =	shalt  }
0x74: {  	_ =	shalt  }
0x75: {  	_ =	shalt  }
0x76: {  	_ =	shalt  }
0x77: {  	_ =	shalt  }
0x78: {  	_ =	shalt  }
0x79: {  	_ =	shalt  }
0x7a: {  	_ =	shalt  }
0x7b: {  	_ =	shalt  }
0x7c: {  	_ =	shalt  }
0x7d: {  	_ =	shalt  }
0x7e: {  	_ =	shalt  }
0x7f: {  	_ =	shalt  }
0x80: {  	_ =	shalt  }
0x81: {  	_ =	shalt  }
0x82: {  	_ =	shalt  }
0x83: {  	_ =	shalt  }
0x84: {  	_ =	shalt  }
0x85: {  	_ =	shalt  }
0x86: {  	_ =	shalt  }
0x87: {  	_ =	shalt  }
.Lfunc_end0:
.L_simem_size_0:
called_computation.1_lowered:
.L_overlay_start_0:
0x88: {  	s2 =	sld [smem:$0x3FD9]  }
0x89: {  	s3 =	sld [smem:$0x3FFE];
	_ =	sdelay $0x1  }
0x8a: {  	s1 =	srdreg.scid  }
0x8b: {  	s0 =	sand.u32 $0x1, s1  }
0x8c: {  	s16 =	sshll.u32 s0, $0xA;
	s2 =	sadd.s32 s3, s2  }
0x8d: {  	s2 =	sadd.s32 s2, s16  }
0x8e: {  	[smem:$0x3FB0] =	sst s2  }
0x8f: {  	_ = 	snop  }
0x90: {  	(tm) =	ssettm $0x1  }
0x91: {  	s17 =	sld [smem:$0x3FFB];
	_ =	sdelay $0x3  }
0x92: {  	_ =	strace s17  }
0x93: {  	s2 =	sld [smem:$0x3FFC];
	_ =	sdelay $0x3  }
0x94: {  	_ =	strace s2  }
0x95: {  	s2 =	sld [smem:$0x3FFD];
	_ =	sdelay $0x3  }
0x96: {  	_ =	strace s2  }
0x97: {  	_ =	strace $0x8FFFFFFF  }
0x98: {  	s18 =	sld [smem:$0x3FDB];
	_ =	sdelay $0x1  }
0x99: {  	s19 =	simm.s32 $_scs_section_size  }
0x9a: {  	s4 =	simm.s32 $_size__tile_overlayer_lowered;
	s5 =	simm.s32 $_tile_overlayer_lowered  }
0x9b: {  	s22 =	simm.s32 $0x1BFF;
	s21 =	sshll.u32 s5, $0x1;
	s2 =	sadd.s32 s19, s18  }
0x9c: {  	s6 =	simm.s32 $0x0;
	s20 =	sshll.u32 s4, $0x1;
	s4 =	sadd.s32 s21, s2  }
0x9d: {  	[timem:s6], [sflag:s22] =	dma.local [hbm:s4], s20  }
0x9e: {  	_ =	swait.ge [sflag:s22], s20  }
0x9f: {  	s3 =	ssub.s32 $0x0, s20;
	[sflag:s22] =	ssyncset.done $0x0  }
0xa0: {  	[sflag:s22] =	ssyncadd.s32 s3;
	_ =	sdelay $0x1  }
0xa1: {  	s23 =	simm.s32 $0x1B8B  }
0xa2: {  	_ =	swait.ge [sflag:s23], $0x1  }
0xa3: {  	[sflag:s23] =	ssyncset.done $0x0  }
0xa4: {  	s25 =	simm.s32 $0x1B8E;
	s24 =	sld [smem:$0x3FFE];
	[sflag:s23] =	ssyncadd.s32 $0xFFFFFFFF  }
0xa5: {  	s26 =	simm.s32 $execute0_lowered;
	[smem:$0x3FD2] =	sst s25  }
0xa6: {  	s4 =	sshll.u32 s26, $0x1;
	_ =	strace $0x80000049;
	[dreg:$0x1] =	wrdreg $0xFFFFFFFF  }
0xa7: {  	s28 =	simm.s32 $_size_execute0_lowered;
	s2 =	sadd.s32 s2, s4;
	[dreg:$0x0] =	wrdreg $0x0  }
0xa8: {  	s4 =	sshll.u32 s28, $0x1;
	[dreg:$0x2] =	wrdreg s2  }
0xa9: {  	[dreg:$0x3] =	wrdreg s4  }
0xaa: {  	[dreg:$0x4] =	wrdreg $0xC0  }
0xab: {  	_ =	task [dreg:s6], $0x5FFFF  }
0xac: {  	[dreg:$0x1] =	wrdreg $0xFFFFFFFF  }
0xad: {  	[dreg:$0x0] =	wrdreg $0x60  }
0xae: {  	[dreg:$0x2] =	wrdreg s24  }
0xaf: {  	[dreg:$0x3] =	wrdreg $0xC9100  }
0xb0: {  	[dreg:$0x4] =	wrdreg $0x9  }
0xb1: {  	_ =	task.clear_ibuf [dreg:s6], $0x5FFFF;
	_ =	strace $0x90000049  }
0xb2: {  	s29 =	simm.s32 $0x9;
	_ =	strace $0x8000004B  }
0xb3: {  	_ =	swait.ge [sflag:s29], $0x1  }
0xb4: {  	[sflag:s29] =	ssyncadd.s32 $0xFFFFFFFF  }
0xb5: {  	_ =	strace $0x9000004B  }
0xb6: {  	_ =	sfence  }
0xb7: {  	s30 =	sld [smem:$0x0];
	_ =	sdelay $0x2  }
0xb8: {  	s31 =	sshll.u32 s1, $0xD;
	s1 =	sshrl.u32 s1, $0x2  }
0xb9: {  	s3 =	sand.u32 $0x4000, s31;
	s1 =	sadd.s32 s1, s30  }
0xba: {  	s0 =	sor.u32 s3, s0;
	s1 =	sshll.u32 s1, $0x11  }
0xbb: {  	s0 =	sor.u32 s1, s0  }
0xbc: {  	s0 =	sadd.s32 $0x8F2B, s0  }
0xbd: {  	[sflag:s0] =	ssyncadd.remote.s32 $0x1  }
0xbe: {  	_ =	sfence.sel $0xFFFF  }
0xbf: {  	[dreg:$0x0] =	wrdreg $0xFFFFFFFF;
	(pc) =	sbr.abs _section_cstart, $3  }
0xc0: {  	[dreg:$0x1] =	wrdreg $0xFFFFFFFF  }
0xc1: {  	_ =	task.clear_ibuf [dreg:s6], $0x2FFFF;
	_ =	strace $0x9FFFFFFF  }
0xc2: {  	(tm) =	ssettm $0x7FFFFFFF  }
0xc3: {  	_ =	shalt  }
tec
execute0_lowered:
.L_overlay_start_1:
0x0: {  	(tag) =	ssettag $0x1  }
0x1: {  	s0 =	rddreg [dreg:$0x0]  }
0x2: {  	s2 =	rddreg [dreg:$0x1];
	s14 =	stileid.u32  }
0x3: {  	s1 =	srdreg.scid;
	s3 =	simm.s32 $0x0;
	s4 =	smul.u32 $0xC350, s14  }
0x4: {  	s28 =	simm.s32 $0x100;
	s29 =	simm.s32 $0x2;
	s10 =	smul.u32 $0x30D40, s14  }
0x5: {  	s30 =	simm.s32 $0x7A00;
	s31 =	simm.s32 $0x180;
	s24 =	smul.u32 $0x5000, s14  }
0x6: {  	s1 =	sand.u32 $0x1, s1;
	[smem:$0x7FF] =	sst s3;
	s18 =	smul.u32 $0x32000, s14  }
0x7: {  	s6 =	sadd.s32 $0x49600, s0;
	s7 =	sadd.s32 $0x3F600, s0;
	s5 =	smul.u32 $0xC3500, s1  }
0x8: {  	s8 =	sshll.u32 s14, $0x1;
	_ =	strace $0x8000004A;
	s26 =	smul.u32 $0x2800, s1  }
0x9: {  	s9 =	ssub.s32 $0x2, s1;
	s8 =	sor.u32 s1, s8;
	s1 =	smul.u32 $0x19000, s1  }
0xa: {  	s11 =	sshrl.u32 s9, $0x1;
	s12 =	smul.u32 $0x2800, s8;
	s19 =	sshrl.u32 s10, $0x2  }
0xb: {  	s8 =	smul.u32 $0x19000, s8;
	s5 =	sadd.s32 s4, s5;
	s4 =	sadd.s32 s4, s2  }
0xc: {  	s5 =	sshrl.u32 s5, $0x3;
	s20 =	sor.u32 $0x80, s12;
	s25 =	sshrl.u32 s12, $0x3  }
0xd: {  	s8 =	sadd.s32 s6, s8;
	s0 =	sadd.s32 s5, s0;
	s5 =	ssub.s32 s9, s11  }
0xe: {  	s9 =	sadd.s32 s19, s2;
	s22 =	smul.u32 $0xA, s20;
	[dreg:$0x7] =	wrdreg s8  }
0xf: {  	s15 =	sadd.s32 s7, s25;
	s17 =	sshrl.u32 s20, $0x3;
	s19 =	sadd.s32 s26, s24  }
0x10: {  	s21 =	sadd.s32 $0x2710, s9;
	s13 =	sadd.s32 $0x4E20, s9;
	[dreg:$0x8] =	wrdreg s15  }
0x11: {  	s23 =	sadd.s32 $0x7530, s9;
	s9 =	sadd.s32 $0x9C40, s9;
	[dreg:$0x3] =	wrdreg s21  }
0x12: {  	s8 =	sadd.s32 s7, s17;
	s20 =	sor.u32 $0x180, s19;
	[dreg:$0x4] =	wrdreg s13  }
0x13: {  	s0 =	sadd.s32 $0x369600, s0;
	s5 =	smax.u32 s5, $0x1;
	[dreg:$0x5] =	wrdreg s23  }
0x14: {  	s24 =	sor.u32 $0x100, s19;
	s25 =	sor.u32 $0x280, s19;
	[dreg:$0x6] =	wrdreg s9  }
0x15: {  	s26 =	sor.u32 $0x200, s19;
	s16 =	sadd.s32 s6, s22;
	[dreg:$0xa] =	wrdreg s8  }
0x16: {  	[dreg:$0xb] =	wrdreg s0;
	s21 =	sadd.s32 s18, s6;
	s22 =	sshrl.u32 s20, $0x3  }
0x17: {  	[dreg:$0xc] =	wrdreg s5;
	s0 =	sshrl.u32 s24, $0x3;
	s5 =	sshrl.u32 s26, $0x3  }
0x18: {  	s20 =	simm.s32 $0xA200;
	s24 =	simm.s32 $0x80;
	s26 =	simm.s32 $0x5200  }
0x19: {  	s6 =	simm.s32 $0x6;
	s8 =	simm.s32 $0x8;
	s9 =	simm.s32 $0x0  }
0x1a: {  	[dreg:$0x9] =	wrdreg s16;
	s15 =	sadd.s32 s1, s21;
	s23 =	sadd.s32 s22, s7  }
.Ltmp0:
0x1b: {  	s1 =	sshrl.u32 s25, $0x3;
	s0 =	sadd.s32 s0, s7;
	(pc) =	sbr.rel .LBB2_1-.Ltmp0, $4  }
0x1c: {  	s11 =	sadd.s32 s5, s7;
	s21 =	simm.s32 $0x9;
	s22 =	simm.s32 $0x200  }
0x1d: {  	s25 =	simm.s32 $0x1;
	s5 =	simm.s32 $0x5;
	[dreg:$0xd] =	wrdreg s23  }
0x1e: {  	[dreg:$0xe] =	wrdreg s0;
	s12 =	sadd.s32 s1, s7;
	s23 =	simm.s32 $0x2A00  }
0x1f: {  	v0 =	vimm.f32 $0.0e+00;
	s0 =	simm.s32 $0x3;
	s1 =	simm.s32 $0x4;
	s7 =	simm.s32 $0x7  }
.LBB2_6:
0x20: {  	_ =	swait.ge [sflag:s1], $0x2800  }
0x21: {  	[sflag:s1] =	ssyncset.done $0x0  }
0x22: {  	[sflag:s1] =	ssyncadd.s32 $0xFFFFD800  }
0x23: {  	_ =	swait.ge [sflag:s1], $0x80  }
0x24: {  	[sflag:s1] =	ssyncset.done $0x0  }
0x25: {  	[sflag:s1] =	ssyncadd.s32 $0xFFFFFF80  }
0x26: {  	[spmem:s2] =	stream.indirect.scatter.add.f32 [tilespmem:s30], [sflag:$0x8], $0x50, s31, s24, $0xb8;
	[tilespmem:$0x18C60] =	vst v63  }
0x27: {  	_ =	swait.ge [sflag:s5], $0x2800  }
0x28: {  	[sflag:s5] =	ssyncset.done $0x0  }
0x29: {  	[sflag:s5] =	ssyncadd.s32 $0xFFFFD800  }
0x2a: {  	_ =	swait.ge [sflag:s6], $0x2800  }
0x2b: {  	[sflag:s6] =	ssyncset.done $0x0  }
0x2c: {  	[sflag:s6] =	ssyncadd.s32 $0xFFFFD800  }
0x2d: {  	_ =	swait.ge [sflag:s7], $0x2800  }
0x2e: {  	[sflag:s7] =	ssyncset.done $0x0  }
0x2f: {  	[sflag:s7] =	ssyncadd.s32 $0xFFFFD800  }
0x30: {  	_ =	swait.ge [sflag:s8], $0x2800  }
0x31: {  	[sflag:s8] =	ssyncset.done $0x0  }
0x32: {  	s10 =	stileid.u32;
	[sflag:s8] =	ssyncadd.s32 $0xFFFFD800  }
0x33: {  	s10 =	sshll.u32 s10, $0x6;
	[bflag:$0x0] =	sbarrier.arrive $0xFFFF  }
0x34: {  	s13 =	sshrl.u32 s4, $0x3;
	s10 =	sor.u32 $0x1C09, s10;
	s14 =	rddreg [dreg:$0xb]  }
0x35: {  	[hbm:s14], [sflag:s10] =	dma.local [spmem:s13], $0x186A  }
0x36: {  	_ =	swait.ge [sflag:s21], $0x186A  }
0x37: {  	s9 =	sadd.s32 $0x1, s9;
	s19 =	rddreg [dreg:$0xc]  }
0x38: {  	p0 =	sne.s32 s9, s19  }
.Ltmp1:
0x39: {  	_ = 	snop;
	(pc) =	sbr.rel @!p0 .LBB2_7-.Ltmp1, $3  }
0x3a: {  	_ =	sdelay $0x1  }
0x3b: {  	[sflag:s21] =	ssyncset.done $0x0  }
0x3c: {  	[sflag:s21] =	ssyncadd.s32 $0xFFFFE796  }
.LBB2_1:
0x3d: {  	s14 =	simm.s32 $0x140;
	s10 =	simm.s32 $0x0  }
.LBB2_2:
0x3e: {  	p0 =	sne.s32 s14, $0x9B00;
	[tilespmem:s10+$0xA240] =	vst v0;
	s16 =	smov.u32 s14;
	s14 =	sadd.s32 $0x140, s14  }
.Ltmp2:
0x3f: {  	[tilespmem:s10+$0xA230] =	vst v0;
	(pc) =	sbr.rel @p0 .LBB2_2-.Ltmp2, $4  }
0x40: {  	[tilespmem:s10+$0xA220] =	vst v0  }
0x41: {  	[tilespmem:s10+$0xA200] =	vst v0  }
0x42: {  	[tilespmem:s10+$0xA210] =	vst v0  }
0x43: {  	s10 =	sshra.s32 s16, $0x2  }
0x44: {  	[tilespmem:s10+$0xA240] =	vst v0  }
0x45: {  	[tilespmem:s10+$0xA230] =	vst v0  }
0x46: {  	[tilespmem:s10+$0xA220] =	vst v0  }
0x47: {  	[tilespmem:s10+$0xA200] =	vst v0  }
0x48: {  	[tilespmem:s10+$0xA210] =	vst v0  }
0x49: {  	[spmem:s4] =	stream.linear.scatter [tilespmem:s20], [sflag:$0x9], $0x2710, $0x38;
	[tilespmem:$0x18C60] =	vst v63  }
0x4a: {  	_ =	swait.ge [sflag:s21], $0x2710  }
0x4b: {  	[sflag:s21] =	ssyncset.done $0x0  }
0x4c: {  	s19 =	rddreg [dreg:$0x3];
	[sflag:s21] =	ssyncadd.s32 $0xFFFFD8F0  }
0x4d: {  	[spmem:s19] =	stream.linear.scatter [tilespmem:s20], [sflag:$0x9], $0x2710, $0x38;
	[tilespmem:$0x18C60] =	vst v63  }
0x4e: {  	_ =	swait.ge [sflag:s21], $0x2710  }
0x4f: {  	[sflag:s21] =	ssyncset.done $0x0  }
0x50: {  	s13 =	rddreg [dreg:$0x4];
	[sflag:s21] =	ssyncadd.s32 $0xFFFFD8F0  }
0x51: {  	[spmem:s13] =	stream.linear.scatter [tilespmem:s20], [sflag:$0x9], $0x2710, $0x38;
	[tilespmem:$0x18C60] =	vst v63  }
0x52: {  	_ =	swait.ge [sflag:s21], $0x2710  }
0x53: {  	[sflag:s21] =	ssyncset.done $0x0  }
0x54: {  	s14 =	rddreg [dreg:$0x5];
	[sflag:s21] =	ssyncadd.s32 $0xFFFFD8F0  }
0x55: {  	[spmem:s14] =	stream.linear.scatter [tilespmem:s20], [sflag:$0x9], $0x2710, $0x38;
	[tilespmem:$0x18C60] =	vst v63  }
0x56: {  	_ =	swait.ge [sflag:s21], $0x2710  }
0x57: {  	[sflag:s21] =	ssyncset.done $0x0  }
0x58: {  	s16 =	rddreg [dreg:$0x6];
	[sflag:s21] =	ssyncadd.s32 $0xFFFFD8F0  }
0x59: {  	[spmem:s16] =	stream.linear.scatter [tilespmem:s20], [sflag:$0x9], $0x2710, $0x38;
	[tilespmem:$0x18C60] =	vst v63  }
0x5a: {  	_ =	swait.ge [sflag:s21], $0x2710  }
0x5b: {  	[sflag:s21] =	ssyncset.done $0x0  }
0x5c: {  	[sflag:s21] =	ssyncadd.s32 $0xFFFFD8F0  }
0x5d: {  	[bflag:$0x0] =	sbarrier.arrive $0xFFFF  }
0x5e: {  	s13 =	rddreg [dreg:$0x7]  }
0x5f: {  	s10 =	simm.s32 $0x0;
	s17 =	rddreg [dreg:$0x8]  }
0x60: {  	[tilespmem:s22], [sflag:$0x1] =	stream.linear.gather [hbm4b:s13+s10], $0x2800, $0x38;
	[tilespmem:$0x18C60] =	vst v63  }
0x61: {  	s18 =	rddreg [dreg:$0x9]  }
0x62: {  	[tilespmem:s10], [sflag:$0x1] =	stream.linear.gather [hbm4b:s17+s10], $0x80, $0x38;
	[tilespmem:$0x18C60] =	vst v63  }
0x63: {  	s19 =	rddreg [dreg:$0xa]  }
0x64: {  	[tilespmem:s23], [sflag:$0x2] =	stream.linear.gather [hbm4b:s18+s10], $0x2800, $0x38;
	[tilespmem:$0x18C60] =	vst v63  }
0x65: {  	s16 =	rddreg [dreg:$0xd]  }
0x66: {  	[tilespmem:s24], [sflag:$0x2] =	stream.linear.gather [hbm4b:s19+s10], $0x80, $0x38;
	[tilespmem:$0x18C60] =	vst v63  }
0x67: {  	s17 =	rddreg [dreg:$0xe];
	s18 =	smov.u32 s12;
	s19 =	smov.u32 s11  }
.LBB2_4:
0x68: {  	_ =	swait.ge [sflag:s25], $0x2800  }
0x69: {  	[sflag:s25] =	ssyncset.done $0x0  }
0x6a: {  	[sflag:s25] =	ssyncadd.s32 $0xFFFFD800  }
0x6b: {  	_ =	swait.ge [sflag:s25], $0x80  }
0x6c: {  	p0 =	seq.s32 s10, $0x0;
	[sflag:s25] =	ssyncset.done $0x0  }
0x6d: {  	s13 =	simm.s32 @!p0 $0x7;
	[sflag:s25] =	ssyncadd.s32 $0xFFFFFF80  }
0x6e: {  	[spmem:s2] =	stream.indirect.scatter.add.f32 [tilespmem:s22], [sflag:$0x5], $0x50, s3, s24, $0xb8;
	[tilespmem:$0x18C60] =	vst v63  }
0x6f: {  	_ =	swait.ge @!p0 [sflag:s13], $0x2800  }
0x70: {  	s14 =	sadd.s32 s10, s15;
	[sflag:s13] =	ssyncset.done @!p0 $0x0  }
0x71: {  	[sflag:s13] =	ssyncadd.s32 @!p0 $0xFFFFD800;
	s13 =	sadd.s32 $0xA00, s14  }
0x72: {  	[tilespmem:s26], [sflag:$0x3] =	stream.linear.gather [hbm4b:s13+s3], $0x2800, $0x38;
	[tilespmem:$0x18C60] =	vst v63  }
0x73: {  	_ = 	snop  }
0x74: {  	[tilespmem:s28], [sflag:$0x3] =	stream.linear.gather [hbm4b:s17+s3], $0x80, $0x38;
	[tilespmem:$0x18C60] =	vst v63  }
0x75: {  	_ =	swait.ge [sflag:s29], $0x2800  }
0x76: {  	[sflag:s29] =	ssyncset.done $0x0  }
0x77: {  	[sflag:s29] =	ssyncadd.s32 $0xFFFFD800  }
0x78: {  	_ =	swait.ge [sflag:s29], $0x80  }
0x79: {  	[sflag:s29] =	ssyncset.done $0x0  }
0x7a: {  	s13 =	simm.s32 @!p0 $0x8;
	[sflag:s29] =	ssyncadd.s32 $0xFFFFFF80  }
0x7b: {  	[spmem:s2] =	stream.indirect.scatter.add.f32 [tilespmem:s23], [sflag:$0x6], $0x50, s24, s24, $0xb8;
	[tilespmem:$0x18C60] =	vst v63  }
0x7c: {  	_ =	swait.ge @!p0 [sflag:s13], $0x2800  }
0x7d: {  	[sflag:s13] =	ssyncset.done @!p0 $0x0  }
0x7e: {  	[sflag:s13] =	ssyncadd.s32 @!p0 $0xFFFFD800;
	s13 =	sadd.s32 $0xF00, s14  }
0x7f: {  	[tilespmem:s30], [sflag:$0x4] =	stream.linear.gather [hbm4b:s13+s3], $0x2800, $0x38;
	[tilespmem:$0x18C60] =	vst v63  }
0x80: {  	_ = 	snop  }
0x81: {  	[tilespmem:s31], [sflag:$0x4] =	stream.linear.gather [hbm4b:s16+s3], $0x80, $0x38;
	[tilespmem:$0x18C60] =	vst v63  }
0x82: {  	_ =	swait.ge [sflag:s0], $0x2800  }
0x83: {  	p0 =	seq.s32 s10, $0x17C00;
	[sflag:s0] =	ssyncset.done $0x0  }
.Ltmp3:
0x84: {  	[sflag:s0] =	ssyncadd.s32 $0xFFFFD800;
	(pc) =	sbr.rel @p0 .LBB2_6-.Ltmp3, $4  }
0x85: {  	_ =	swait.ge [sflag:s0], $0x80  }
0x86: {  	[sflag:s0] =	ssyncset.done $0x0  }
0x87: {  	[sflag:s0] =	ssyncadd.s32 $0xFFFFFF80  }
0x88: {  	[spmem:s2] =	stream.indirect.scatter.add.f32 [tilespmem:s26], [sflag:$0x7], $0x50, s28, s24, $0xb8;
	[tilespmem:$0x18C60] =	vst v63  }
0x89: {  	_ =	swait.ge [sflag:s5], $0x2800  }
0x8a: {  	[sflag:s5] =	ssyncset.done $0x0  }
0x8b: {  	s13 =	sadd.s32 $0x1400, s14;
	[sflag:s5] =	ssyncadd.s32 $0xFFFFD800  }
0x8c: {  	[tilespmem:s22], [sflag:$0x1] =	stream.linear.gather [hbm4b:s13+s3], $0x2800, $0x38;
	[tilespmem:$0x18C60] =	vst v63  }
0x8d: {  	_ = 	snop  }
0x8e: {  	[tilespmem:s3], [sflag:$0x1] =	stream.linear.gather [hbm4b:s19+s3], $0x80, $0x38;
	[tilespmem:$0x18C60] =	vst v63  }
0x8f: {  	_ =	swait.ge [sflag:s1], $0x2800  }
0x90: {  	[sflag:s1] =	ssyncset.done $0x0  }
0x91: {  	[sflag:s1] =	ssyncadd.s32 $0xFFFFD800  }
0x92: {  	_ =	swait.ge [sflag:s1], $0x80  }
0x93: {  	[sflag:s1] =	ssyncset.done $0x0  }
0x94: {  	[sflag:s1] =	ssyncadd.s32 $0xFFFFFF80  }
0x95: {  	[spmem:s2] =	stream.indirect.scatter.add.f32 [tilespmem:s30], [sflag:$0x8], $0x50, s31, s24, $0xb8;
	[tilespmem:$0x18C60] =	vst v63  }
0x96: {  	_ =	swait.ge [sflag:s6], $0x2800  }
0x97: {  	[sflag:s6] =	ssyncset.done $0x0  }
.Ltmp4:
0x98: {  	s14 =	sadd.s32 $0x1900, s14;
	[sflag:s6] =	ssyncadd.s32 $0xFFFFD800;
	(pc) =	sbr.rel .LBB2_4-.Ltmp4, $4  }
0x99: {  	[tilespmem:s23], [sflag:$0x2] =	stream.linear.gather [hbm4b:s14+s3], $0x2800, $0x38;
	[tilespmem:$0x18C60] =	vst v63  }
0x9a: {  	s10 =	sadd.s32 $0x1400, s10;
	s16 =	sadd.s32 $0x40, s16  }
0x9b: {  	[tilespmem:s24], [sflag:$0x2] =	stream.linear.gather [hbm4b:s18+s3], $0x80, $0x38;
	[tilespmem:$0x18C60] =	vst v63  }
0x9c: {  	s17 =	sadd.s32 $0x40, s17;
	s19 =	sadd.s32 $0x40, s19;
	s18 =	sadd.s32 $0x40, s18  }
.LBB2_7:
0x9d: {  	_ =	sfence.sel $0x180000  }
0x9e: {  	[bflag:$0x0] =	sbarrier.arrive $0xFFFF  }
0x9f: {  	_ =	strace $0x9000004A  }
0xa0: {  	s0 =	stileid.u32;
	[bflag:$0x2] =	sbarrier.arrive $0xFFFF  }
0xa1: {  	p0 =	sne.s32 s0, $0x0;
	s0 =	rddreg [dreg:$0x2]  }
0xa2: {  	s0 =	sadd.s32 @!p0 $0x100000, s0  }
0xa3: {  	[sflag:s0] =	ssyncadd.tile.s32 @!p0 $0x1;
	_ =	shalt  }
.Lfunc_end2:
_tile_overlayer_lowered:
.L_overlay_start_2:
0xa4: {  	(tag) =	ssettag $0x2  }
0xa5: {  	s0 =	rddreg [dreg:$0x0];
	s2 =	stileid.u32  }
0xa6: {  	s1 =	rddreg [dreg:$0x1];
	p0 =	sne.s32 s2, $0x0  }
0xa7: {  	s3 =	rddreg [dreg:$0x2];
	[bflag:$0x3] =	sbarrier.arrive $0xFFFF;
	s2 =	simm.s32 @!p0 $0x1C09  }
0xa8: {  	[timem:s3], [sflag:s2] =	dma.local @!p0 [hbm:s0], s1  }
0xa9: {  	s0 =	simm.s32 @!p0 $0x9  }
0xaa: {  	_ =	swait.ge @!p0 [sflag:s0], s1  }
0xab: {  	s1 =	ssub.s32 @!p0 $0x0, s1;
	[sflag:s0] =	ssyncset.done @!p0 $0x0  }
0xac: {  	[sflag:s0] =	ssyncadd.s32 @!p0 s1  }
0xad: {  	[bflag:$0x3] =	sbarrier.arrive $0xFFFF  }
0xae: {  	_ =	shalt  }

// kernel: kernel.8.cloned.1.call-start
scs
__scs_entry_jumppad:
0x0: {  	(pc) =	sbr.rel $0x88, $3  }
0x1: {  	(tag) =	ssettag $0x0;
	lr =	simm.s32 $0x1  }
0x2: {  	[smem:$0x3F89] =	sst lr;
	_ =	strace $0xD0000000  }
0x3: {  	_ = 	snop  }
0x4: {  	_ = 	snop  }
0x5: {  	_ = 	snop  }
0x6: {  	_ = 	snop  }
0x7: {  	_ = 	snop  }
__scs_overlays_trampoline_lowered:
0x8: {  	[smem:$0x3F98] =	sst s0  }
0x9: {  	[smem:$0x3F99] =	sst s1  }
0xa: {  	[smem:$0x3F9A] =	sst s2  }
0xb: {  	[smem:$0x3F9B] =	sst s3  }
0xc: {  	[smem:$0x3F9C] =	sst s4  }
0xd: {  	[smem:$0x3F9D] =	sst s5  }
0xe: {  	[smem:$0x3F9E] =	sst s6  }
0xf: {  	[smem:$0x3F9F] =	sst s7  }
0x10: {  	[smem:$0x3FA0] =	sst s8  }
0x11: {  	[smem:$0x3FA1] =	sst s9;
	s0 =	simm.s32 @!p0 $0x0  }
0x12: {  	s1 =	sld [smem:$0x3F87];
	s0 =	simm.s32 @p0 $0x1  }
0x13: {  	[smem:$0x3FA2] =	sst s0;
	s0 =	simm.s32 @!p1 $0x0  }
0x14: {  	s2 =	sld [smem:$0x3F86];
	s0 =	simm.s32 @p1 $0x1  }
0x15: {  	[smem:$0x3FA3] =	sst s0;
	s0 =	simm.s32 @!p2 $0x0  }
0x16: {  	s3 =	sld [smem:$0x3FDB];
	s0 =	simm.s32 @p2 $0x1  }
0x17: {  	s4 =	simm.s32 $0x1BF5;
	[smem:$0x3FA5] =	sst s0  }
0x18: {  	s0 =	sld [smem:$0x3F88];
	_ =	swait.ge [sflag:s4], $0x0  }
0x19: {  	s7 =	sld [smem:$0x3F89]  }
0x1a: {  	s8 =	sadd.s32 $0xFFFFE003, lr  }
0x1b: {  	s9 =	sadd.s32 $0xFFFFFEF7, lr;
	s5 =	simm.s32 $0xFFFFFFFF;
	p2 =	slt.u32 s8, $0xFFFFF086  }
0x1c: {  	p1 =	slt.u32 s9, $0xF7A;
	s5 =	simm.s32 @!p2 $0x0  }
0x1d: {  	s5 =	simm.s32 @p1 $0x1;
	p0 =	seq.s32 s7, s2  }
0x1e: {  	s7 =	smul.u32 @!p0 $0xF7A, s2;
	p2 =	seq.s32 @!p0 s5, $0x0  }
0x1f: {  	s9 =	smul.u32 $0xF7A, s1;
	s8 =	simm.s32 @!p0 $0x1BF5;
	p2 =	por !p2, p0  }
0x20: {  	[sflag:s8] =	ssyncset.s32 @!p0 $0xFFFFF086;
	s6 =	sadd.s32 @!p0 s3, s7;
	s7 =	simm.s32 @!p0 $0x108  }
0x21: {  	s3 =	sadd.s32 s3, s9;
	s6 =	sadd.s32 @!p0 $0x88, s6;
	s7 =	simm.s32 @p2 $0x1082  }
0x22: {  	[simem:s7], [sflag:s8] =	dma.local @!p0 [hbm:s6], $0xF7A  }
0x23: {  	s9 =	sor.u32 $0xD0000000, s2;
	s6 =	simm.s32 $0x108;
	_ =	swait.ge @!p0 [sflag:s8], $0x0  }
0x24: {  	s3 =	sadd.s32 $0x88, s3;
	s6 =	simm.s32 @!p1 $0x1082;
	[sflag:s4] =	ssyncset.s32 $0xFFFFF086  }
0x25: {  	[simem:s6], [sflag:s4] =	dma.local [hbm:s3], $0xF7A  }
0x26: {  	[smem:$0x3F89] =	sst s1;
	(tag) =	ssettag s2;
	_ =	strace s9  }
0x27: {  	s1 =	sld [smem:$0x3F99]  }
0x28: {  	s2 =	sld [smem:$0x3F9A]  }
0x29: {  	s4 =	sld [smem:$0x3F9C]  }
0x2a: {  	p0 =	seq.s32 s5, $0x0;
	s5 =	sld [smem:$0x3F9D]  }
0x2b: {  	s6 =	sld [smem:$0x3F9E]  }
0x2c: {  	s7 =	sld [smem:$0x3F9F]  }
0x2d: {  	s3 =	simm.s32 $0x108;
	s8 =	sld [smem:$0x3FA0]  }
0x2e: {  	s3 =	simm.s32 @!p0 $0x1082;
	s9 =	sld [smem:$0x3FA1]  }
0x2f: {  	lr =	sadd.s32 s0, s3;
	s0 =	sld [smem:$0x3F98]  }
0x30: {  	s3 =	sld [smem:$0x3F9B]  }
0x31: {  	[smem:$0x3FA4] =	sst s10  }
0x32: {  	s10 =	sld [smem:$0x3FA2];
	_ =	sdelay $0x3  }
0x33: {  	p0 =	seq.s32 s10, $0x1;
	s10 =	sld [smem:$0x3FA4];
	_ =	sdelay $0x3  }
0x34: {  	[smem:$0x3FA4] =	sst s10  }
0x35: {  	s10 =	sld [smem:$0x3FA3];
	_ =	sdelay $0x3  }
0x36: {  	p1 =	seq.s32 s10, $0x1;
	s10 =	sld [smem:$0x3FA4];
	_ =	sdelay $0x3  }
0x37: {  	[smem:$0x3FA4] =	sst s10  }
0x38: {  	s10 =	sld [smem:$0x3FA5]  }
0x39: {  	_ = 	snop;
	(pc) =	sbr.ind lr, $3  }
0x3a: {  	_ = 	snop  }
0x3b: {  	_ = 	snop  }
0x3c: {  	p2 =	seq.s32 s10, $0x1;
	s10 =	sld [smem:$0x3FA4]  }
0x3d: {  	_ =	shalt  }
0x3e: {  	_ =	shalt  }
0x3f: {  	_ =	shalt  }
0x40: {  	_ =	shalt  }
0x41: {  	_ =	shalt  }
0x42: {  	_ =	shalt  }
0x43: {  	_ =	shalt  }
0x44: {  	_ =	shalt  }
0x45: {  	_ =	shalt  }
0x46: {  	_ =	shalt  }
0x47: {  	_ =	shalt  }
0x48: {  	_ =	shalt  }
0x49: {  	_ =	shalt  }
0x4a: {  	_ =	shalt  }
0x4b: {  	_ =	shalt  }
0x4c: {  	_ =	shalt  }
0x4d: {  	_ =	shalt  }
0x4e: {  	_ =	shalt  }
0x4f: {  	_ =	shalt  }
0x50: {  	_ =	shalt  }
0x51: {  	_ =	shalt  }
0x52: {  	_ =	shalt  }
0x53: {  	_ =	shalt  }
0x54: {  	_ =	shalt  }
0x55: {  	_ =	shalt  }
0x56: {  	_ =	shalt  }
0x57: {  	_ =	shalt  }
0x58: {  	_ =	shalt  }
0x59: {  	_ =	shalt  }
0x5a: {  	_ =	shalt  }
0x5b: {  	_ =	shalt  }
0x5c: {  	_ =	shalt  }
0x5d: {  	_ =	shalt  }
0x5e: {  	_ =	shalt  }
0x5f: {  	_ =	shalt  }
0x60: {  	_ =	shalt  }
0x61: {  	_ =	shalt  }
0x62: {  	_ =	shalt  }
0x63: {  	_ =	shalt  }
0x64: {  	_ =	shalt  }
0x65: {  	_ =	shalt  }
0x66: {  	_ =	shalt  }
0x67: {  	_ =	shalt  }
0x68: {  	_ =	shalt  }
0x69: {  	_ =	shalt  }
0x6a: {  	_ =	shalt  }
0x6b: {  	_ =	shalt  }
0x6c: {  	_ =	shalt  }
0x6d: {  	_ =	shalt  }
0x6e: {  	_ =	shalt  }
0x6f: {  	_ =	shalt  }
0x70: {  	_ =	shalt  }
0x71: {  	_ =	shalt  }
0x72: {  	_ =	shalt  }
0x73: {  	_ =	shalt  }
0x74: {  	_ =	shalt  }
0x75: {  	_ =	shalt  }
0x76: {  	_ =	shalt  }
0x77: {  	_ =	shalt  }
0x78: {  	_ =	shalt  }
0x79: {  	_ =	shalt  }
0x7a: {  	_ =	shalt  }
0x7b: {  	_ =	shalt  }
0x7c: {  	_ =	shalt  }
0x7d: {  	_ =	shalt  }
0x7e: {  	_ =	shalt  }
0x7f: {  	_ =	shalt  }
0x80: {  	_ =	shalt  }
0x81: {  	_ =	shalt  }
0x82: {  	_ =	shalt  }
0x83: {  	_ =	shalt  }
0x84: {  	_ =	shalt  }
0x85: {  	_ =	shalt  }
0x86: {  	_ =	shalt  }
0x87: {  	_ =	shalt  }
.Lfunc_end0:
.L_simem_size_0:
called_computation_lowered:
.L_overlay_start_0:
0x88: {  	s2 =	sld [smem:$0x3FD9]  }
0x89: {  	s3 =	sld [smem:$0x3FFE];
	_ =	sdelay $0x1  }
0x8a: {  	s1 =	srdreg.scid  }
0x8b: {  	s0 =	sand.u32 $0x1, s1  }
0x8c: {  	s16 =	sshll.u32 s0, $0xA;
	s2 =	sadd.s32 s3, s2  }
0x8d: {  	s2 =	sadd.s32 s2, s16  }
0x8e: {  	[smem:$0x3FB0] =	sst s2  }
0x8f: {  	_ = 	snop  }
0x90: {  	(tm) =	ssettm $0x1  }
0x91: {  	s17 =	sld [smem:$0x3FFB];
	_ =	sdelay $0x3  }
0x92: {  	_ =	strace s17  }
0x93: {  	s2 =	sld [smem:$0x3FFC];
	_ =	sdelay $0x3  }
0x94: {  	_ =	strace s2  }
0x95: {  	s2 =	sld [smem:$0x3FFD];
	_ =	sdelay $0x3  }
0x96: {  	_ =	strace s2  }
0x97: {  	_ =	strace $0x8FFFFFFF  }
0x98: {  	s18 =	sld [smem:$0x3FDB];
	_ =	sdelay $0x1  }
0x99: {  	s19 =	simm.s32 $_scs_section_size  }
0x9a: {  	s4 =	simm.s32 $_size__tile_overlayer_lowered;
	s5 =	simm.s32 $_tile_overlayer_lowered  }
0x9b: {  	s22 =	simm.s32 $0x1BFF;
	s21 =	sshll.u32 s5, $0x1;
	s2 =	sadd.s32 s19, s18  }
0x9c: {  	s6 =	simm.s32 $0x0;
	s20 =	sshll.u32 s4, $0x1;
	s4 =	sadd.s32 s21, s2  }
0x9d: {  	[timem:s6], [sflag:s22] =	dma.local [hbm:s4], s20  }
0x9e: {  	_ =	swait.ge [sflag:s22], s20  }
0x9f: {  	s3 =	ssub.s32 $0x0, s20;
	[sflag:s22] =	ssyncset.done $0x0  }
0xa0: {  	[sflag:s22] =	ssyncadd.s32 s3;
	_ =	sdelay $0x1  }
0xa1: {  	s23 =	simm.s32 $0x1B8B  }
0xa2: {  	_ =	swait.ge [sflag:s23], $0x1  }
0xa3: {  	[sflag:s23] =	ssyncset.done $0x0  }
0xa4: {  	s25 =	simm.s32 $0x1B8E;
	s24 =	sld [smem:$0x3FFE];
	[sflag:s23] =	ssyncadd.s32 $0xFFFFFFFF  }
0xa5: {  	s26 =	simm.s32 $execute0_lowered;
	[smem:$0x3FD2] =	sst s25  }
0xa6: {  	s4 =	sshll.u32 s26, $0x1;
	_ =	strace $0x80000046;
	[dreg:$0x1] =	wrdreg $0xFFFFFFFF  }
0xa7: {  	s28 =	simm.s32 $_size_execute0_lowered;
	s2 =	sadd.s32 s2, s4;
	[dreg:$0x0] =	wrdreg $0x0  }
0xa8: {  	s4 =	sshll.u32 s28, $0x1;
	[dreg:$0x2] =	wrdreg s2  }
0xa9: {  	[dreg:$0x3] =	wrdreg s4  }
0xaa: {  	[dreg:$0x4] =	wrdreg $0xC0  }
0xab: {  	_ =	task [dreg:s6], $0x5FFFF  }
0xac: {  	[dreg:$0x1] =	wrdreg $0xFFFFFFFF  }
0xad: {  	[dreg:$0x0] =	wrdreg $0x60  }
0xae: {  	[dreg:$0x2] =	wrdreg s24  }
0xaf: {  	[dreg:$0x3] =	wrdreg $0x9  }
0xb0: {  	_ =	task.clear_ibuf [dreg:s6], $0x4FFFF;
	_ =	strace $0x90000046  }
0xb1: {  	s29 =	simm.s32 $0x9;
	_ =	strace $0x80000048  }
0xb2: {  	_ =	swait.ge [sflag:s29], $0x1  }
0xb3: {  	[sflag:s29] =	ssyncadd.s32 $0xFFFFFFFF  }
0xb4: {  	_ =	strace $0x90000048  }
0xb5: {  	_ =	sfence  }
0xb6: {  	s30 =	sld [smem:$0x0];
	_ =	sdelay $0x2  }
0xb7: {  	s31 =	sshll.u32 s1, $0xD;
	s1 =	sshrl.u32 s1, $0x2  }
0xb8: {  	s3 =	sand.u32 $0x4000, s31;
	s1 =	sadd.s32 s1, s30  }
0xb9: {  	s0 =	sor.u32 s3, s0;
	s1 =	sshll.u32 s1, $0x11  }
0xba: {  	s0 =	sor.u32 s1, s0  }
0xbb: {  	s0 =	sadd.s32 $0x8F2B, s0  }
0xbc: {  	[sflag:s0] =	ssyncadd.remote.s32 $0x1  }
0xbd: {  	_ =	sfence.sel $0xFFFF  }
0xbe: {  	[dreg:$0x0] =	wrdreg $0xFFFFFFFF;
	(pc) =	sbr.abs _section_cstart, $3  }
0xbf: {  	[dreg:$0x1] =	wrdreg $0xFFFFFFFF  }
0xc0: {  	_ =	task.clear_ibuf [dreg:s6], $0x2FFFF;
	_ =	strace $0x9FFFFFFF  }
0xc1: {  	(tm) =	ssettm $0x7FFFFFFF  }
tec
execute0_lowered:
.L_overlay_start_1:
0x0: {  	(tag) =	ssettag $0x1  }
0x1: {  	s0 =	rddreg [dreg:$0x0]  }
0x2: {  	s1 =	srdreg.scid;
	s11 =	stileid.u32  }
0x3: {  	s2 =	simm.s32 $0x0;
	s13 =	simm.s32 $0x9;
	s15 =	simm.s32 $0x80  }
0x4: {  	s16 =	simm.s32 $0x5000;
	s17 =	simm.s32 $0xD000;
	s28 =	simm.s32 $0x5  }
0x5: {  	s29 =	simm.s32 $0x6;
	s30 =	simm.s32 $0x7;
	s31 =	simm.s32 $0x8  }
0x6: {  	s1 =	sand.u32 $0x1, s1;
	s3 =	sshll.u32 s11, $0x1;
	s7 =	smul.u32 $0x5000, s11  }
0x7: {  	[smem:$0x7FF] =	sst s2;
	s10 =	sadd.s32 $0x5DC00, s0;
	s23 =	smul.u32 $0x28000, s11  }
0x8: {  	s4 =	sor.u32 s1, s3;
	_ =	strace $0x80000047;
	s9 =	smul.u32 $0x2800, s1  }
0x9: {  	s3 =	sadd.s32 $0x2BC00, s0;
	s6 =	ssub.s32 $0x2, s1;
	s1 =	smul.u32 $0x14000, s1  }
0xa: {  	s5 =	smul.u32 $0x2800, s4;
	s4 =	sadd.s32 $0x53600, s0;
	s8 =	sshrl.u32 s6, $0x1  }
0xb: {  	s26 =	sadd.s32 s23, s10;
	s23 =	simm.s32 $0x2;
	s18 =	ssub.s32 s6, s8  }
0xc: {  	s21 =	sadd.s32 s9, s7;
	s1 =	sadd.s32 s1, s26;
	s5 =	sshrl.u32 s5, $0x3  }
0xd: {  	s26 =	simm.s32 $0x4;
	s0 =	sadd.s32 s5, s0;
	s5 =	smax.u32 s18, $0x1  }
0xe: {  	s22 =	sshll.u32 s21, $0x3;
	s19 =	sadd.s32 $0x49600, s0;
	[dreg:$0x5] =	wrdreg s5  }
0xf: {  	s21 =	simm.s32 $0x1;
	s20 =	sadd.s32 $0x3F600, s0;
	[dreg:$0x2] =	wrdreg s19  }
.Ltmp0:
0x10: {  	s0 =	sadd.s32 $0x53C00, s0;
	[dreg:$0x3] =	wrdreg s20;
	(pc) =	sbr.rel .LBB2_1-.Ltmp0, $4  }
0x11: {  	s18 =	simm.s32 $0x7000;
	[dreg:$0x4] =	wrdreg s0;
	s0 =	sadd.s32 s22, s10  }
0x12: {  	s22 =	simm.s32 $0x9000;
	s24 =	sadd.s32 $0x400, s0;
	s25 =	sadd.s32 $0xC00, s0  }
0x13: {  	s19 =	sadd.s32 $0x800, s0;
	s0 =	simm.s32 $0x0;
	[dreg:$0x6] =	wrdreg s24  }
0x14: {  	[dreg:$0x7] =	wrdreg s25;
	s24 =	simm.s32 $0xB000;
	s25 =	simm.s32 $0x3  }
.LBB2_4:
0x15: {  	_ =	swait.ge [sflag:s28], $0x2000  }
0x16: {  	[sflag:s28] =	ssyncset.done $0x0  }
0x17: {  	[sflag:s28] =	ssyncadd.s32 $0xFFFFE000  }
0x18: {  	_ =	swait.ge [sflag:s29], $0x2000  }
0x19: {  	[sflag:s29] =	ssyncset.done $0x0  }
0x1a: {  	[sflag:s29] =	ssyncadd.s32 $0xFFFFE000  }
0x1b: {  	_ =	swait.ge [sflag:s30], $0x2000  }
0x1c: {  	[sflag:s30] =	ssyncset.done $0x0  }
0x1d: {  	[sflag:s30] =	ssyncadd.s32 $0xFFFFE000  }
0x1e: {  	_ =	swait.ge [sflag:s31], $0x2000  }
0x1f: {  	[sflag:s31] =	ssyncset.done $0x0  }
0x20: {  	s5 =	rddreg [dreg:$0x4];
	[sflag:s31] =	ssyncadd.s32 $0xFFFFE000  }
0x21: {  	[hbm4b:s5+s2] =	stream.linear.scatter [tilespmem:s17], [sflag:$0x9], $0x2800, $0x38;
	[tilespmem:$0xF800] =	vst v63  }
0x22: {  	_ =	swait.ge [sflag:s13], $0x2800  }
0x23: {  	s0 =	sadd.s32 $0x1, s0;
	s20 =	rddreg [dreg:$0x5]  }
0x24: {  	p0 =	sne.s32 s0, s20  }
.Ltmp1:
0x25: {  	_ = 	snop;
	(pc) =	sbr.rel @!p0 .LBB2_5-.Ltmp1, $3  }
0x26: {  	_ =	sdelay $0x1  }
0x27: {  	[sflag:s13] =	ssyncset.done $0x0  }
0x28: {  	[sflag:s13] =	ssyncadd.s32 $0xFFFFD800  }
.LBB2_1:
0x29: {  	s5 =	rddreg [dreg:$0x2]  }
0x2a: {  	[tilespmem:s2], [sflag:$0x9] =	stream.linear.gather [hbm4b:s5+s2], $0x2800, $0x38;
	[tilespmem:$0xF800] =	vst v63  }
0x2b: {  	_ =	swait.ge [sflag:s13], $0x2800  }
0x2c: {  	[sflag:s13] =	ssyncset.done $0x0  }
0x2d: {  	s6 =	simm.s32 $0x2800;
	s12 =	rddreg [dreg:$0x3];
	[sflag:s13] =	ssyncadd.s32 $0xFFFFD800  }
0x2e: {  	[tilespmem:s6], [sflag:$0x9] =	stream.linear.gather [hbm4b:s12+s2], $0x2800, $0x38;
	[tilespmem:$0xF800] =	vst v63  }
0x2f: {  	_ =	swait.ge [sflag:s13], $0x2800  }
0x30: {  	[sflag:s13] =	ssyncset.done $0x0  }
0x31: {  	[sflag:s13] =	ssyncadd.s32 $0xFFFFD800  }
0x32: {  	[tilespmem:s16], [sflag:$0x1] =	stream.indirect.gather [hbm4b:s3+s15], $0x40, s2, s15, $0xb8;
	[tilespmem:$0xF800] =	vst v63  }
0x33: {  	s14 =	simm.s32 $0x2880  }
0x34: {  	[tilespmem:s17], [sflag:$0x1] =	stream.indirect.gather [hbm4b:s4+s15], $0x1, s6, s15, $0xb8;
	[tilespmem:$0xF800] =	vst v63  }
0x35: {  	s20 =	simm.s32 $0xD080;
	s11 =	smov.u32 s19;
	s10 =	rddreg [dreg:$0x7]  }
0x36: {  	[tilespmem:s18], [sflag:$0x2] =	stream.indirect.gather [hbm4b:s3+s15], $0x40, s15, s15, $0xb8;
	[tilespmem:$0xF800] =	vst v63  }
0x37: {  	s5 =	simm.s32 $0x0;
	s12 =	smov.u32 s1;
	s9 =	rddreg [dreg:$0x6]  }
0x38: {  	[tilespmem:s20], [sflag:$0x2] =	stream.indirect.gather [hbm4b:s4+s15], $0x1, s14, s15, $0xb8;
	[tilespmem:$0xF800] =	vst v63  }
.LBB2_2:
0x39: {  	_ =	swait.ge [sflag:s21], $0x2000  }
0x3a: {  	[sflag:s21] =	ssyncset.done $0x0  }
0x3b: {  	[sflag:s21] =	ssyncadd.s32 $0xFFFFE000  }
0x3c: {  	_ =	swait.ge [sflag:s21], $0x80  }
0x3d: {  	p0 =	seq.s32 s5, $0x0;
	[sflag:s21] =	ssyncset.done $0x0  }
0x3e: {  	s8 =	simm.s32 @!p0 $0x7;
	[sflag:s21] =	ssyncadd.s32 $0xFFFFFF80  }
0x3f: {  	[hbm4b:s12+s2] =	stream.linear.scatter [tilespmem:s16], [sflag:$0x5], $0x2000, $0x38;
	[tilespmem:$0xF800] =	vst v63  }
0x40: {  	_ =	swait.ge @!p0 [sflag:s8], $0x2000  }
0x41: {  	s7 =	sshra.s32 s5, $0x2;
	[sflag:s8] =	ssyncset.done @!p0 $0x0  }
0x42: {  	s14 =	sadd.s32 $0x100, s7;
	[sflag:s8] =	ssyncadd.s32 @!p0 $0xFFFFE000  }
0x43: {  	[tilespmem:s22], [sflag:$0x3] =	stream.indirect.gather [hbm4b:s3+s15], $0x40, s14, s15, $0xb8;
	[tilespmem:$0xF800] =	vst v63  }
0x44: {  	s20 =	sadd.s32 $0xD100, s7;
	s6 =	sadd.s32 $0x2900, s7  }
0x45: {  	[tilespmem:s20], [sflag:$0x3] =	stream.indirect.gather [hbm4b:s4+s15], $0x1, s6, s15, $0xb8;
	[tilespmem:$0xF800] =	vst v63  }
0x46: {  	_ =	swait.ge [sflag:s23], $0x2000  }
0x47: {  	[sflag:s23] =	ssyncset.done $0x0  }
0x48: {  	[sflag:s23] =	ssyncadd.s32 $0xFFFFE000  }
0x49: {  	_ =	swait.ge [sflag:s23], $0x80  }
0x4a: {  	[sflag:s23] =	ssyncset.done $0x0  }
0x4b: {  	s6 =	simm.s32 @!p0 $0x8;
	[sflag:s23] =	ssyncadd.s32 $0xFFFFFF80  }
0x4c: {  	[hbm4b:s9+s2] =	stream.linear.scatter [tilespmem:s18], [sflag:$0x6], $0x2000, $0x38;
	[tilespmem:$0xF800] =	vst v63  }
0x4d: {  	_ =	swait.ge @!p0 [sflag:s6], $0x2000  }
0x4e: {  	[sflag:s6] =	ssyncset.done @!p0 $0x0  }
0x4f: {  	s8 =	sadd.s32 $0x180, s7;
	[sflag:s6] =	ssyncadd.s32 @!p0 $0xFFFFE000  }
0x50: {  	[tilespmem:s24], [sflag:$0x4] =	stream.indirect.gather [hbm4b:s3+s15], $0x40, s8, s15, $0xb8;
	[tilespmem:$0xF800] =	vst v63  }
0x51: {  	s14 =	sadd.s32 $0xD180, s7;
	s20 =	sadd.s32 $0x2980, s7  }
0x52: {  	[tilespmem:s14], [sflag:$0x4] =	stream.indirect.gather [hbm4b:s4+s15], $0x1, s20, s15, $0xb8;
	[tilespmem:$0xF800] =	vst v63  }
0x53: {  	_ =	swait.ge [sflag:s25], $0x2000  }
0x54: {  	[sflag:s25] =	ssyncset.done $0x0  }
0x55: {  	[sflag:s25] =	ssyncadd.s32 $0xFFFFE000  }
0x56: {  	_ =	swait.ge [sflag:s25], $0x80  }
0x57: {  	p0 =	seq.s32 s5, $0x9800;
	[sflag:s25] =	ssyncset.done $0x0  }
0x58: {  	s6 =	simm.s32 @!p0 $0x5;
	[sflag:s25] =	ssyncadd.s32 $0xFFFFFF80  }
0x59: {  	[hbm4b:s11+s2] =	stream.linear.scatter [tilespmem:s22], [sflag:$0x7], $0x2000, $0x38;
	[tilespmem:$0xF800] =	vst v63  }
0x5a: {  	_ =	swait.ge @!p0 [sflag:s6], $0x2000  }
0x5b: {  	[sflag:s6] =	ssyncset.done @!p0 $0x0  }
0x5c: {  	[sflag:s6] =	ssyncadd.s32 @!p0 $0xFFFFE000;
	s6 =	sshra.s32 @!p0 s5, $0x2  }
0x5d: {  	s20 =	simm.s32 @!p0 $0x80;
	s14 =	simm.s32 @!p0 $0x5000;
	s8 =	sadd.s32 @!p0 $0x200, s6  }
0x5e: {  	[tilespmem:s14], [sflag:$0x1] =	stream.indirect.gather @!p0 [hbm4b:s3+s20], $0x40, s8, s20, $0xb8;
	[tilespmem:$0xF800] =	vst v63  }
0x5f: {  	s8 =	sadd.s32 @!p0 $0xD200, s6;
	s6 =	sadd.s32 @!p0 $0x2A00, s6  }
0x60: {  	[tilespmem:s8], [sflag:$0x1] =	stream.indirect.gather @!p0 [hbm4b:s4+s20], $0x1, s6, s20, $0xb8;
	[tilespmem:$0xF800] =	vst v63  }
0x61: {  	_ =	swait.ge [sflag:s26], $0x2000  }
0x62: {  	[sflag:s26] =	ssyncset.done $0x0  }
.Ltmp2:
0x63: {  	[sflag:s26] =	ssyncadd.s32 $0xFFFFE000;
	(pc) =	sbr.rel @p0 .LBB2_4-.Ltmp2, $4  }
0x64: {  	_ =	swait.ge [sflag:s26], $0x80  }
0x65: {  	[sflag:s26] =	ssyncset.done $0x0  }
0x66: {  	[sflag:s26] =	ssyncadd.s32 $0xFFFFFF80  }
0x67: {  	[hbm4b:s10+s2] =	stream.linear.scatter [tilespmem:s24], [sflag:$0x8], $0x2000, $0x38;
	[tilespmem:$0xF800] =	vst v63  }
0x68: {  	_ =	swait.ge [sflag:s29], $0x2000;
	s6 =	sadd.s32 $0x280, s7;
	s14 =	sadd.s32 $0xD280, s7  }
.Ltmp3:
0x69: {  	s20 =	sadd.s32 $0x2A80, s7;
	[sflag:s29] =	ssyncset.done $0x0;
	(pc) =	sbr.rel .LBB2_2-.Ltmp3, $4  }
0x6a: {  	s9 =	sadd.s32 $0x1000, s9;
	s5 =	sadd.s32 $0x800, s5;
	[sflag:s29] =	ssyncadd.s32 $0xFFFFE000  }
0x6b: {  	[tilespmem:s18], [sflag:$0x2] =	stream.indirect.gather [hbm4b:s3+s15], $0x40, s6, s15, $0xb8;
	[tilespmem:$0xF800] =	vst v63  }
0x6c: {  	s10 =	sadd.s32 $0x1000, s10;
	s11 =	sadd.s32 $0x1000, s11;
	s12 =	sadd.s32 $0x1000, s12  }
0x6d: {  	[tilespmem:s14], [sflag:$0x2] =	stream.indirect.gather [hbm4b:s4+s15], $0x1, s20, s15, $0xb8;
	[tilespmem:$0xF800] =	vst v63  }
.LBB2_5:
0x6e: {  	_ =	sfence.sel $0x180000  }
0x6f: {  	[bflag:$0x0] =	sbarrier.arrive $0xFFFF  }
0x70: {  	_ =	strace $0x90000047  }
0x71: {  	s0 =	stileid.u32;
	[bflag:$0x2] =	sbarrier.arrive $0xFFFF  }
0x72: {  	p0 =	sne.s32 s0, $0x0;
	s0 =	rddreg [dreg:$0x1]  }
0x73: {  	s0 =	sadd.s32 @!p0 $0x100000, s0  }
0x74: {  	[sflag:s0] =	ssyncadd.tile.s32 @!p0 $0x1;
	_ =	shalt  }
.Lfunc_end2:
_tile_overlayer_lowered:
.L_overlay_start_2:
0x75: {  	(tag) =	ssettag $0x2  }
0x76: {  	s0 =	rddreg [dreg:$0x0];
	s2 =	stileid.u32  }
0x77: {  	s1 =	rddreg [dreg:$0x1];
	p0 =	sne.s32 s2, $0x0  }
0x78: {  	s3 =	rddreg [dreg:$0x2];
	[bflag:$0x3] =	sbarrier.arrive $0xFFFF;
	s2 =	simm.s32 @!p0 $0x1C09  }
0x79: {  	[timem:s3], [sflag:s2] =	dma.local @!p0 [hbm:s0], s1  }
0x7a: {  	s0 =	simm.s32 @!p0 $0x9  }
0x7b: {  	_ =	swait.ge @!p0 [sflag:s0], s1  }
0x7c: {  	s1 =	ssub.s32 @!p0 $0x0, s1;
	[sflag:s0] =	ssyncset.done @!p0 $0x0  }
0x7d: {  	[sflag:s0] =	ssyncadd.s32 @!p0 s1  }
0x7e: {  	[bflag:$0x3] =	sbarrier.arrive $0xFFFF  }
0x7f: {  	_ =	shalt  }

</sc_bundles>
